<compile_context>
chip_gen: v7x
topology: tpu7x:2x2x1
jax: 0.10.2.dev20260603
libtpu: 0.0.44.dev20260713+nightly
codegen_flags: <defaults>
</compile_context>

<pallas_src>
import functools

import jax
import jax.numpy as jnp
from jax import lax
from jax.experimental import pallas as pl
from jax.experimental.pallas import tpu as pltpu
from jax.experimental.pallas import tpu_sc as plsc

B, C, H, W = 8, 384, 224, 224
P = 200
NPTS = 2 * B * P
CHUNK = 104
SUB_A = 56
SUB_B = CHUNK - SUB_A
LANES = 16


def _body(tbl_hbm, cpt_hbm, npt_hbm, out_hbm, pts_v, idx_v, rows_v, sem,
          sem_b):
    wid = lax.axis_index("s") * 2 + lax.axis_index("c")
    seg = wid // 2
    arr = seg // 8
    b = seg % 8
    off = (wid % 2) * 96

    def run(pts_ref):
        pltpu.sync_copy(pts_ref.at[b], pts_v)
        for s in list(range(0, P - LANES, LANES)) + [P - LANES]:
            xv = pts_v[0, pl.ds(s, LANES)]
            yv = pts_v[1, pl.ds(s, LANES)]
            idx_v[pl.ds(s, LANES)] = (b * H + yv) * W + xv
        ga = pltpu.async_copy(tbl_hbm.at[idx_v.at[pl.ds(off, SUB_A)]],
                              rows_v.at[pl.ds(0, SUB_A)], sem)
        gb = pltpu.async_copy(
            tbl_hbm.at[idx_v.at[pl.ds(off + SUB_A, SUB_B)]],
            rows_v.at[pl.ds(SUB_A, SUB_B)], sem_b)
        base = arr * (B * P) + b * P + off
        ga.wait()
        pltpu.sync_copy(rows_v.at[pl.ds(0, SUB_A)],
                        out_hbm.at[pl.ds(base, SUB_A)])
        gb.wait()
        pltpu.sync_copy(rows_v.at[pl.ds(SUB_A, SUB_B)],
                        out_hbm.at[pl.ds(base + SUB_A, SUB_B)])

    @pl.when(arr == 0)
    def _():
        run(cpt_hbm)

    @pl.when(arr == 1)
    def _():
        run(npt_hbm)


@jax.jit
def _crop_gather(tbl, cpt, npt):
    kern = functools.partial(
        pl.kernel,
        out_type=jax.ShapeDtypeStruct((NPTS, C), jnp.float32),
        mesh=plsc.VectorSubcoreMesh(core_axis_name="c",
                                    subcore_axis_name="s"),
        scratch_types=[
            pltpu.VMEM((2, P), jnp.int32),
            pltpu.VMEM((P, ), jnp.int32),
            pltpu.VMEM((CHUNK, C), jnp.float32),
            pltpu.SemaphoreType.DMA,
            pltpu.SemaphoreType.DMA,
        ],
    )(_body)
    return kern(tbl, cpt, npt)


def kernel(imgs, batch_cpoints, batch_npoints):
    tbl = imgs.transpose(0, 2, 3, 1).reshape(B * H * W, C)
    cpt = batch_cpoints.transpose(0, 2, 1)
    npt = batch_npoints.transpose(0, 2, 1)
    batch_crop_imgs = _crop_gather(tbl, cpt, npt)
    return (batch_crop_imgs, NPTS // 2, NPTS)

# --- scband reference (transcript-rebuilt; emitter-appended) ---
"""Pipeline reference for scband-crop-function-11055245820321 (READ-ONLY COPY).

The authoritative reference and input builder live on the scoring server;
editing this copy changes nothing except your own understanding.
"""

import jax, jax.numpy as jnp
import numpy as np

B, C, H, W = 8, 384, 224, 224
P = 200

def setup_inputs(seed: int = 0) -> dict:
    key = jax.random.key(seed)
    k1, k2, k3 = jax.random.split(key, 3)
    imgs = jax.random.normal(k1, (B, C, H, W), dtype=jnp.float32)
    batch_cpoints = jax.random.randint(k2, (B, P, 2), 0, 224, dtype=jnp.int32)
    batch_npoints = jax.random.randint(k3, (B, P, 2), 0, 224, dtype=jnp.int32)
    return {"imgs": imgs, "batch_cpoints": batch_cpoints, "batch_npoints": batch_npoints}

def _gather_points(imgs, points):
    # points[..., 0] = x (width index), points[..., 1] = y (height index)
    # torch: crop_img = img[:, y, x]  -> channel vector per point
    b_idx = jnp.arange(imgs.shape[0])[:, None]
    xs = points[..., 0]
    ys = points[..., 1]
    # mixed advanced indexing: result [B, P, C]
    crops = imgs[b_idx, :, ys, xs]
    return crops.reshape(-1, imgs.shape[1])

def reference(imgs, batch_cpoints, batch_npoints):
    crop_c = _gather_points(imgs, batch_cpoints)  # [B*P, C] in (image, point) order, matching torch loop
    crop_n = _gather_points(imgs, batch_npoints)
    c_len = crop_c.shape[0]
    n_len = crop_n.shape[0]
    batch_crop_imgs = jnp.concatenate([crop_c, crop_n], axis=0)
    length = c_len + n_len
    return (batch_crop_imgs, c_len, length)

if __name__ == "__main__":
    import jax
    _d = setup_inputs()
    print(jax.jit(kernel)(*tuple(_d.values())))

</pallas_src>

<mosaic_0001>
#map = affine_map<(d0, d1) -> (0, 0)>
#map1 = affine_map<(d0, d1) -> (0, 0, 0)>
module attributes {stable_mosaic.version = 14 : i64} {
  func.func @_body(%arg0: i32, %arg1: i32, %arg2: memref<401408x384xf32, #tpu.memory_space<hbm>>, %arg3: memref<8x2x200xi32, #tpu.memory_space<hbm>>, %arg4: memref<8x2x200xi32, #tpu.memory_space<hbm>>, %arg5: memref<3200x384xf32, #tpu.memory_space<hbm>>, %arg6: memref<2x200xi32, #tpu.memory_space<vmem>>, %arg7: memref<200xi32, #tpu.memory_space<vmem>>, %arg8: memref<104x384xf32, #tpu.memory_space<vmem>>, %arg9: memref<!tpu.dma_semaphore, #tpu.memory_space<semaphore_mem>>, %arg10: memref<!tpu.dma_semaphore, #tpu.memory_space<semaphore_mem>>) attributes {dimension_semantics = [#tpu.dimension_semantics<core_parallel>, #tpu.dimension_semantics<subcore_parallel>], iteration_bounds = array<i64: 2, 16>, scalar_prefetch = 0 : i64, scratch_operands = 5 : i64, tpu.core_type = #tpu.core_type<sc_vector_subcore>, window_params = [{transform_indices = #map}, {transform_indices = #map1}, {transform_indices = #map1}, {transform_indices = #map}]} {
    %mul3A = arith.constant 2 : i32
    %mul3A_0 = arith.muli %arg1, %mul3A : i32
    %add3A = arith.addi %mul3A_0, %arg0 : i32
    %jit3A = arith.constant 2 : i32
    %div3A = arith.divsi %add3A, %jit3A : i32
    %sign3A = arith.constant 0 : i32
    %sign3A_1 = arith.cmpi sgt, %add3A, %sign3A : i32
    %sign3A_2 = arith.extui %sign3A_1 : i1 to i32
    %sign3A_3 = arith.constant 0 : i32
    %sign3A_4 = arith.cmpi slt, %add3A, %sign3A_3 : i32
    %sign3A_5 = arith.extui %sign3A_4 : i1 to i32
    %sign3A_6 = arith.subi %sign3A_2, %sign3A_5 : i32
    %sign3A_7 = arith.constant 0 : i32
    %sign3A_8 = arith.cmpi sgt, %jit3A, %sign3A_7 : i32
    %sign3A_9 = arith.extui %sign3A_8 : i1 to i32
    %sign3A_10 = arith.constant 0 : i32
    %sign3A_11 = arith.cmpi slt, %jit3A, %sign3A_10 : i32
    %sign3A_12 = arith.extui %sign3A_11 : i1 to i32
    %sign3A_13 = arith.subi %sign3A_9, %sign3A_12 : i32
    %ne3A = arith.cmpi ne, %sign3A_6, %sign3A_13 : i32
    %rem3A = arith.remsi %add3A, %jit3A : i32
    %ne3A_14 = arith.constant 0 : i32
    %ne3A_15 = arith.cmpi ne, %rem3A, %ne3A_14 : i32
    %and3A = arith.andi %ne3A, %ne3A_15 : i1
    %sub3A = arith.constant 1 : i32
    %sub3A_16 = arith.subi %div3A, %sub3A : i32
    %select_n3A = arith.select %and3A, %sub3A_16, %div3A : i32
    %jit3A_17 = arith.constant 8 : i32
    %div3A_18 = arith.divsi %select_n3A, %jit3A_17 : i32
    %sign3A_19 = arith.constant 0 : i32
    %sign3A_20 = arith.cmpi sgt, %select_n3A, %sign3A_19 : i32
    %sign3A_21 = arith.extui %sign3A_20 : i1 to i32
    %sign3A_22 = arith.constant 0 : i32
    %sign3A_23 = arith.cmpi slt, %select_n3A, %sign3A_22 : i32
    %sign3A_24 = arith.extui %sign3A_23 : i1 to i32
    %sign3A_25 = arith.subi %sign3A_21, %sign3A_24 : i32
    %sign3A_26 = arith.constant 0 : i32
    %sign3A_27 = arith.cmpi sgt, %jit3A_17, %sign3A_26 : i32
    %sign3A_28 = arith.extui %sign3A_27 : i1 to i32
    %sign3A_29 = arith.constant 0 : i32
    %sign3A_30 = arith.cmpi slt, %jit3A_17, %sign3A_29 : i32
    %sign3A_31 = arith.extui %sign3A_30 : i1 to i32
    %sign3A_32 = arith.subi %sign3A_28, %sign3A_31 : i32
    %ne3A_33 = arith.cmpi ne, %sign3A_25, %sign3A_32 : i32
    %rem3A_34 = arith.remsi %select_n3A, %jit3A_17 : i32
    %ne3A_35 = arith.constant 0 : i32
    %ne3A_36 = arith.cmpi ne, %rem3A_34, %ne3A_35 : i32
    %and3A_37 = arith.andi %ne3A_33, %ne3A_36 : i1
    %sub3A_38 = arith.constant 1 : i32
    %sub3A_39 = arith.subi %div3A_18, %sub3A_38 : i32
    %select_n3A_40 = arith.select %and3A_37, %sub3A_39, %div3A_18 : i32
    %jit3A_41 = arith.constant 8 : i32
    %eq3A = arith.constant 0 : i32
    %eq3A_42 = arith.cmpi eq, %jit3A_41, %eq3A : i32
    %jit3A_43 = arith.constant 1 : i32
    %select_n3A_44 = arith.select %eq3A_42, %jit3A_43, %jit3A_41 : i32
    %rem3A_45 = arith.remsi %select_n3A, %select_n3A_44 : i32
    %ne3A_46 = arith.constant 0 : i32
    %ne3A_47 = arith.cmpi ne, %rem3A_45, %ne3A_46 : i32
    %lt3A = arith.constant 0 : i32
    %lt3A_48 = arith.cmpi slt, %rem3A_45, %lt3A : i32
    %lt3A_49 = arith.constant 0 : i32
    %lt3A_50 = arith.cmpi slt, %select_n3A_44, %lt3A_49 : i32
    %ne3A_51 = arith.xori %lt3A_48, %lt3A_50 : i1
    %and3A_52 = arith.andi %ne3A_51, %ne3A_47 : i1
    %add3A_53 = arith.addi %rem3A_45, %select_n3A_44 : i32
    %select_n3A_54 = arith.select %and3A_52, %add3A_53, %rem3A_45 : i32
    %jit3A_55 = arith.constant 2 : i32
    %eq3A_56 = arith.constant 0 : i32
    %eq3A_57 = arith.cmpi eq, %jit3A_55, %eq3A_56 : i32
    %jit3A_58 = arith.constant 1 : i32
    %select_n3A_59 = arith.select %eq3A_57, %jit3A_58, %jit3A_55 : i32
    %rem3A_60 = arith.remsi %add3A, %select_n3A_59 : i32
    %ne3A_61 = arith.constant 0 : i32
    %ne3A_62 = arith.cmpi ne, %rem3A_60, %ne3A_61 : i32
    %lt3A_63 = arith.constant 0 : i32
    %lt3A_64 = arith.cmpi slt, %rem3A_60, %lt3A_63 : i32
    %lt3A_65 = arith.constant 0 : i32
    %lt3A_66 = arith.cmpi slt, %select_n3A_59, %lt3A_65 : i32
    %ne3A_67 = arith.xori %lt3A_64, %lt3A_66 : i1
    %and3A_68 = arith.andi %ne3A_67, %ne3A_62 : i1
    %add3A_69 = arith.addi %rem3A_60, %select_n3A_59 : i32
    %select_n3A_70 = arith.select %and3A_68, %add3A_69, %rem3A_60 : i32
    %mul3A_71 = arith.constant 96 : i32
    %mul3A_72 = arith.muli %select_n3A_70, %mul3A_71 : i32
    %eq3A_73 = arith.constant 0 : i32
    %eq3A_74 = arith.cmpi eq, %select_n3A_40, %eq3A_73 : i32
    %convert_element_type3A = arith.extui %eq3A_74 : i1 to i32
    %cond3A = arith.constant 0 : i32
    %cond3A_75 = arith.cmpi ne, %convert_element_type3A, %cond3A : i32
    scf.if %cond3A_75 {
      "tpu.region"() ({
        %run_scoped3A = tpu.sem_alloc : memref<!tpu.dma_semaphore, #tpu.memory_space<semaphore_mem>>
        %dma_start3A_401 = arith.constant 0 : i32
        %dma_start3A_402 = arith.constant 0 : i32
        %dma_start3A_403 = tpu.memref_slice %arg3[%select_n3A_54, %dma_start3A_401, %dma_start3A_402] : memref<8x2x200xi32, #tpu.memory_space<hbm>> -> memref<1x2x200xi32, #tpu.memory_space<hbm>>
        %dma_start3A_404 = tpu.memref_squeeze %dma_start3A_403 : memref<1x2x200xi32, #tpu.memory_space<hbm>> -> memref<2x200xi32, #tpu.memory_space<hbm>>
        %dma_start3A_405 = arith.constant 0 : i32
        %dma_start3A_406 = arith.constant 0 : i32
        %dma_start3A_407 = tpu.memref_slice %arg3[%select_n3A_54, %dma_start3A_405, %dma_start3A_406] : memref<8x2x200xi32, #tpu.memory_space<hbm>> -> memref<1x2x200xi32, #tpu.memory_space<hbm>>
        %dma_start3A_408 = tpu.memref_squeeze %dma_start3A_407 : memref<1x2x200xi32, #tpu.memory_space<hbm>> -> memref<2x200xi32, #tpu.memory_space<hbm>>
        tpu.enqueue_dma source(%dma_start3A_408 : memref<2x200xi32, #tpu.memory_space<hbm>>) target(%arg6 : memref<2x200xi32, #tpu.memory_space<vmem>>) target_semaphore(%run_scoped3A : memref<!tpu.dma_semaphore, #tpu.memory_space<semaphore_mem>>)
        %dma_wait3A_409 = arith.constant 0 : i32
        %dma_wait3A_410 = arith.constant 0 : i32
        %dma_wait3A_411 = tpu.memref_slice %arg3[%select_n3A_54, %dma_wait3A_409, %dma_wait3A_410] : memref<8x2x200xi32, #tpu.memory_space<hbm>> -> memref<1x2x200xi32, #tpu.memory_space<hbm>>
        %dma_wait3A_412 = tpu.memref_squeeze %dma_wait3A_411 : memref<1x2x200xi32, #tpu.memory_space<hbm>> -> memref<2x200xi32, #tpu.memory_space<hbm>>
        %dma_wait3A_413 = arith.constant 0 : i32
        %dma_wait3A_414 = arith.constant 0 : i32
        %dma_wait3A_415 = tpu.memref_slice %arg3[%select_n3A_54, %dma_wait3A_413, %dma_wait3A_414] : memref<8x2x200xi32, #tpu.memory_space<hbm>> -> memref<1x2x200xi32, #tpu.memory_space<hbm>>
        %dma_wait3A_416 = tpu.memref_squeeze %dma_wait3A_415 : memref<1x2x200xi32, #tpu.memory_space<hbm>> -> memref<2x200xi32, #tpu.memory_space<hbm>>
        tpu.wait_dma2 semaphore(%run_scoped3A : memref<!tpu.dma_semaphore, #tpu.memory_space<semaphore_mem>>) src(%dma_wait3A_416 : memref<2x200xi32, #tpu.memory_space<hbm>>) dst(%arg6 : memref<2x200xi32, #tpu.memory_space<vmem>>)
        tpu.yield
      }) : () -> ()
      %get3A = arith.constant 0 : i32
      %get3A_81 = arith.index_cast %get3A : i32 to index
      %get3A_82 = arith.constant 0 : index
      %get3A_83 = tpu.vector_load %arg6[%get3A_81, %get3A_82] {strides = array<i32>} : memref<2x200xi32, #tpu.memory_space<vmem>>, vector<1x16xi32>,
      %get3A_84 = vector.shape_cast %get3A_83 : vector<1x16xi32> to vector<16xi32>
      %get3A_85 = arith.constant 1 : i32
      %get3A_86 = arith.index_cast %get3A_85 : i32 to index
      %get3A_87 = arith.constant 0 : index
      %get3A_88 = tpu.vector_load %arg6[%get3A_86, %get3A_87] {strides = array<i32>} : memref<2x200xi32, #tpu.memory_space<vmem>>, vector<1x16xi32>,
      %get3A_89 = vector.shape_cast %get3A_88 : vector<1x16xi32> to vector<16xi32>
      %mul3A_90 = arith.constant 224 : i32
      %mul3A_91 = arith.muli %select_n3A_54, %mul3A_90 : i32
      %add3A_92 = vector.broadcast %mul3A_91 : i32 to vector<16xi32>
      %add3A_93 = arith.addi %add3A_92, %get3A_89 : vector<16xi32>
      %mul3A_94 = arith.constant 224 : i32
      %mul3A_95 = vector.broadcast %mul3A_94 : i32 to vector<16xi32>
      %mul3A_96 = arith.muli %add3A_93, %mul3A_95 : vector<16xi32>
      %add3A_97 = arith.addi %mul3A_96, %get3A_84 : vector<16xi32>
      %swap3A = arith.constant 0 : index
      %swap3A_98 = tpu.vector_load %arg7[%swap3A] {strides = array<i32>} : memref<200xi32, #tpu.memory_space<vmem>>, vector<16xi32>,
      %swap3A_99 = vector.shape_cast %swap3A_98 : vector<16xi32> to vector<16xi32>
      %swap3A_100 = vector.shape_cast %add3A_97 : vector<16xi32> to vector<16xi32>
      tpu.vector_store %arg7[%swap3A], %swap3A_100 {strides = array<i32>} : memref<200xi32, #tpu.memory_space<vmem>>, vector<16xi32>,
      %get3A_101 = arith.constant 0 : i32
      %get3A_102 = arith.index_cast %get3A_101 : i32 to index
      %get3A_103 = arith.constant 16 : index
      %get3A_104 = tpu.vector_load %arg6[%get3A_102, %get3A_103] {strides = array<i32>} : memref<2x200xi32, #tpu.memory_space<vmem>>, vector<1x16xi32>,
      %get3A_105 = vector.shape_cast %get3A_104 : vector<1x16xi32> to vector<16xi32>
      %get3A_106 = arith.constant 1 : i32
      %get3A_107 = arith.index_cast %get3A_106 : i32 to index
      %get3A_108 = arith.constant 16 : index
      %get3A_109 = tpu.vector_load %arg6[%get3A_107, %get3A_108] {strides = array<i32>} : memref<2x200xi32, #tpu.memory_space<vmem>>, vector<1x16xi32>,
      %get3A_110 = vector.shape_cast %get3A_109 : vector<1x16xi32> to vector<16xi32>
      %mul3A_111 = arith.constant 224 : i32
      %mul3A_112 = arith.muli %select_n3A_54, %mul3A_111 : i32
      %add3A_113 = vector.broadcast %mul3A_112 : i32 to vector<16xi32>
      %add3A_114 = arith.addi %add3A_113, %get3A_110 : vector<16xi32>
      %mul3A_115 = arith.constant 224 : i32
      %mul3A_116 = vector.broadcast %mul3A_115 : i32 to vector<16xi32>
      %mul3A_117 = arith.muli %add3A_114, %mul3A_116 : vector<16xi32>
      %add3A_118 = arith.addi %mul3A_117, %get3A_105 : vector<16xi32>
      %swap3A_119 = arith.constant 16 : index
      %swap3A_120 = tpu.vector_load %arg7[%swap3A_119] {strides = array<i32>} : memref<200xi32, #tpu.memory_space<vmem>>, vector<16xi32>,
      %swap3A_121 = vector.shape_cast %swap3A_120 : vector<16xi32> to vector<16xi32>
      %swap3A_122 = vector.shape_cast %add3A_118 : vector<16xi32> to vector<16xi32>
      tpu.vector_store %arg7[%swap3A_119], %swap3A_122 {strides = array<i32>} : memref<200xi32, #tpu.memory_space<vmem>>, vector<16xi32>,
      %get3A_123 = arith.constant 0 : i32
      %get3A_124 = arith.index_cast %get3A_123 : i32 to index
      %get3A_125 = arith.constant 32 : index
      %get3A_126 = tpu.vector_load %arg6[%get3A_124, %get3A_125] {strides = array<i32>} : memref<2x200xi32, #tpu.memory_space<vmem>>, vector<1x16xi32>,
      %get3A_127 = vector.shape_cast %get3A_126 : vector<1x16xi32> to vector<16xi32>
      %get3A_128 = arith.constant 1 : i32
      %get3A_129 = arith.index_cast %get3A_128 : i32 to index
      %get3A_130 = arith.constant 32 : index
      %get3A_131 = tpu.vector_load %arg6[%get3A_129, %get3A_130] {strides = array<i32>} : memref<2x200xi32, #tpu.memory_space<vmem>>, vector<1x16xi32>,
      %get3A_132 = vector.shape_cast %get3A_131 : vector<1x16xi32> to vector<16xi32>
      %mul3A_133 = arith.constant 224 : i32
      %mul3A_134 = arith.muli %select_n3A_54, %mul3A_133 : i32
      %add3A_135 = vector.broadcast %mul3A_134 : i32 to vector<16xi32>
      %add3A_136 = arith.addi %add3A_135, %get3A_132 : vector<16xi32>
      %mul3A_137 = arith.constant 224 : i32
      %mul3A_138 = vector.broadcast %mul3A_137 : i32 to vector<16xi32>
      %mul3A_139 = arith.muli %add3A_136, %mul3A_138 : vector<16xi32>
      %add3A_140 = arith.addi %mul3A_139, %get3A_127 : vector<16xi32>
      %swap3A_141 = arith.constant 32 : index
      %swap3A_142 = tpu.vector_load %arg7[%swap3A_141] {strides = array<i32>} : memref<200xi32, #tpu.memory_space<vmem>>, vector<16xi32>,
      %swap3A_143 = vector.shape_cast %swap3A_142 : vector<16xi32> to vector<16xi32>
      %swap3A_144 = vector.shape_cast %add3A_140 : vector<16xi32> to vector<16xi32>
      tpu.vector_store %arg7[%swap3A_141], %swap3A_144 {strides = array<i32>} : memref<200xi32, #tpu.memory_space<vmem>>, vector<16xi32>,
      %get3A_145 = arith.constant 0 : i32
      %get3A_146 = arith.index_cast %get3A_145 : i32 to index
      %get3A_147 = arith.constant 48 : index
      %get3A_148 = tpu.vector_load %arg6[%get3A_146, %get3A_147] {strides = array<i32>} : memref<2x200xi32, #tpu.memory_space<vmem>>, vector<1x16xi32>,
      %get3A_149 = vector.shape_cast %get3A_148 : vector<1x16xi32> to vector<16xi32>
      %get3A_150 = arith.constant 1 : i32
      %get3A_151 = arith.index_cast %get3A_150 : i32 to index
      %get3A_152 = arith.constant 48 : index
      %get3A_153 = tpu.vector_load %arg6[%get3A_151, %get3A_152] {strides = array<i32>} : memref<2x200xi32, #tpu.memory_space<vmem>>, vector<1x16xi32>,
      %get3A_154 = vector.shape_cast %get3A_153 : vector<1x16xi32> to vector<16xi32>
      %mul3A_155 = arith.constant 224 : i32
      %mul3A_156 = arith.muli %select_n3A_54, %mul3A_155 : i32
      %add3A_157 = vector.broadcast %mul3A_156 : i32 to vector<16xi32>
      %add3A_158 = arith.addi %add3A_157, %get3A_154 : vector<16xi32>
      %mul3A_159 = arith.constant 224 : i32
      %mul3A_160 = vector.broadcast %mul3A_159 : i32 to vector<16xi32>
      %mul3A_161 = arith.muli %add3A_158, %mul3A_160 : vector<16xi32>
      %add3A_162 = arith.addi %mul3A_161, %get3A_149 : vector<16xi32>
      %swap3A_163 = arith.constant 48 : index
      %swap3A_164 = tpu.vector_load %arg7[%swap3A_163] {strides = array<i32>} : memref<200xi32, #tpu.memory_space<vmem>>, vector<16xi32>,
      %swap3A_165 = vector.shape_cast %swap3A_164 : vector<16xi32> to vector<16xi32>
      %swap3A_166 = vector.shape_cast %add3A_162 : vector<16xi32> to vector<16xi32>
      tpu.vector_store %arg7[%swap3A_163], %swap3A_166 {strides = array<i32>} : memref<200xi32, #tpu.memory_space<vmem>>, vector<16xi32>,
      %get3A_167 = arith.constant 0 : i32
      %get3A_168 = arith.index_cast %get3A_167 : i32 to index
      %get3A_169 = arith.constant 64 : index
      %get3A_170 = tpu.vector_load %arg6[%get3A_168, %get3A_169] {strides = array<i32>} : memref<2x200xi32, #tpu.memory_space<vmem>>, vector<1x16xi32>,
      %get3A_171 = vector.shape_cast %get3A_170 : vector<1x16xi32> to vector<16xi32>
      %get3A_172 = arith.constant 1 : i32
      %get3A_173 = arith.index_cast %get3A_172 : i32 to index
      %get3A_174 = arith.constant 64 : index
      %get3A_175 = tpu.vector_load %arg6[%get3A_173, %get3A_174] {strides = array<i32>} : memref<2x200xi32, #tpu.memory_space<vmem>>, vector<1x16xi32>,
      %get3A_176 = vector.shape_cast %get3A_175 : vector<1x16xi32> to vector<16xi32>
      %mul3A_177 = arith.constant 224 : i32
      %mul3A_178 = arith.muli %select_n3A_54, %mul3A_177 : i32
      %add3A_179 = vector.broadcast %mul3A_178 : i32 to vector<16xi32>
      %add3A_180 = arith.addi %add3A_179, %get3A_176 : vector<16xi32>
      %mul3A_181 = arith.constant 224 : i32
      %mul3A_182 = vector.broadcast %mul3A_181 : i32 to vector<16xi32>
      %mul3A_183 = arith.muli %add3A_180, %mul3A_182 : vector<16xi32>
      %add3A_184 = arith.addi %mul3A_183, %get3A_171 : vector<16xi32>
      %swap3A_185 = arith.constant 64 : index
      %swap3A_186 = tpu.vector_load %arg7[%swap3A_185] {strides = array<i32>} : memref<200xi32, #tpu.memory_space<vmem>>, vector<16xi32>,
      %swap3A_187 = vector.shape_cast %swap3A_186 : vector<16xi32> to vector<16xi32>
      %swap3A_188 = vector.shape_cast %add3A_184 : vector<16xi32> to vector<16xi32>
      tpu.vector_store %arg7[%swap3A_185], %swap3A_188 {strides = array<i32>} : memref<200xi32, #tpu.memory_space<vmem>>, vector<16xi32>,
      %get3A_189 = arith.constant 0 : i32
      %get3A_190 = arith.index_cast %get3A_189 : i32 to index
      %get3A_191 = arith.constant 80 : index
      %get3A_192 = tpu.vector_load %arg6[%get3A_190, %get3A_191] {strides = array<i32>} : memref<2x200xi32, #tpu.memory_space<vmem>>, vector<1x16xi32>,
      %get3A_193 = vector.shape_cast %get3A_192 : vector<1x16xi32> to vector<16xi32>
      %get3A_194 = arith.constant 1 : i32
      %get3A_195 = arith.index_cast %get3A_194 : i32 to index
      %get3A_196 = arith.constant 80 : index
      %get3A_197 = tpu.vector_load %arg6[%get3A_195, %get3A_196] {strides = array<i32>} : memref<2x200xi32, #tpu.memory_space<vmem>>, vector<1x16xi32>,
      %get3A_198 = vector.shape_cast %get3A_197 : vector<1x16xi32> to vector<16xi32>
      %mul3A_199 = arith.constant 224 : i32
      %mul3A_200 = arith.muli %select_n3A_54, %mul3A_199 : i32
      %add3A_201 = vector.broadcast %mul3A_200 : i32 to vector<16xi32>
      %add3A_202 = arith.addi %add3A_201, %get3A_198 : vector<16xi32>
      %mul3A_203 = arith.constant 224 : i32
      %mul3A_204 = vector.broadcast %mul3A_203 : i32 to vector<16xi32>
      %mul3A_205 = arith.muli %add3A_202, %mul3A_204 : vector<16xi32>
      %add3A_206 = arith.addi %mul3A_205, %get3A_193 : vector<16xi32>
      %swap3A_207 = arith.constant 80 : index
      %swap3A_208 = tpu.vector_load %arg7[%swap3A_207] {strides = array<i32>} : memref<200xi32, #tpu.memory_space<vmem>>, vector<16xi32>,
      %swap3A_209 = vector.shape_cast %swap3A_208 : vector<16xi32> to vector<16xi32>
      %swap3A_210 = vector.shape_cast %add3A_206 : vector<16xi32> to vector<16xi32>
      tpu.vector_store %arg7[%swap3A_207], %swap3A_210 {strides = array<i32>} : memref<200xi32, #tpu.memory_space<vmem>>, vector<16xi32>,
      %get3A_211 = arith.constant 0 : i32
      %get3A_212 = arith.index_cast %get3A_211 : i32 to index
      %get3A_213 = arith.constant 96 : index
      %get3A_214 = tpu.vector_load %arg6[%get3A_212, %get3A_213] {strides = array<i32>} : memref<2x200xi32, #tpu.memory_space<vmem>>, vector<1x16xi32>,
      %get3A_215 = vector.shape_cast %get3A_214 : vector<1x16xi32> to vector<16xi32>
      %get3A_216 = arith.constant 1 : i32
      %get3A_217 = arith.index_cast %get3A_216 : i32 to index
      %get3A_218 = arith.constant 96 : index
      %get3A_219 = tpu.vector_load %arg6[%get3A_217, %get3A_218] {strides = array<i32>} : memref<2x200xi32, #tpu.memory_space<vmem>>, vector<1x16xi32>,
      %get3A_220 = vector.shape_cast %get3A_219 : vector<1x16xi32> to vector<16xi32>
      %mul3A_221 = arith.constant 224 : i32
      %mul3A_222 = arith.muli %select_n3A_54, %mul3A_221 : i32
      %add3A_223 = vector.broadcast %mul3A_222 : i32 to vector<16xi32>
      %add3A_224 = arith.addi %add3A_223, %get3A_220 : vector<16xi32>
      %mul3A_225 = arith.constant 224 : i32
      %mul3A_226 = vector.broadcast %mul3A_225 : i32 to vector<16xi32>
      %mul3A_227 = arith.muli %add3A_224, %mul3A_226 : vector<16xi32>
      %add3A_228 = arith.addi %mul3A_227, %get3A_215 : vector<16xi32>
      %swap3A_229 = arith.constant 96 : index
      %swap3A_230 = tpu.vector_load %arg7[%swap3A_229] {strides = array<i32>} : memref<200xi32, #tpu.memory_space<vmem>>, vector<16xi32>,
      %swap3A_231 = vector.shape_cast %swap3A_230 : vector<16xi32> to vector<16xi32>
      %swap3A_232 = vector.shape_cast %add3A_228 : vector<16xi32> to vector<16xi32>
      tpu.vector_store %arg7[%swap3A_229], %swap3A_232 {strides = array<i32>} : memref<200xi32, #tpu.memory_space<vmem>>, vector<16xi32>,
      %get3A_233 = arith.constant 0 : i32
      %get3A_234 = arith.index_cast %get3A_233 : i32 to index
      %get3A_235 = arith.constant 112 : index
      %get3A_236 = tpu.vector_load %arg6[%get3A_234, %get3A_235] {strides = array<i32>} : memref<2x200xi32, #tpu.memory_space<vmem>>, vector<1x16xi32>,
      %get3A_237 = vector.shape_cast %get3A_236 : vector<1x16xi32> to vector<16xi32>
      %get3A_238 = arith.constant 1 : i32
      %get3A_239 = arith.index_cast %get3A_238 : i32 to index
      %get3A_240 = arith.constant 112 : index
      %get3A_241 = tpu.vector_load %arg6[%get3A_239, %get3A_240] {strides = array<i32>} : memref<2x200xi32, #tpu.memory_space<vmem>>, vector<1x16xi32>,
      %get3A_242 = vector.shape_cast %get3A_241 : vector<1x16xi32> to vector<16xi32>
      %mul3A_243 = arith.constant 224 : i32
      %mul3A_244 = arith.muli %select_n3A_54, %mul3A_243 : i32
      %add3A_245 = vector.broadcast %mul3A_244 : i32 to vector<16xi32>
      %add3A_246 = arith.addi %add3A_245, %get3A_242 : vector<16xi32>
      %mul3A_247 = arith.constant 224 : i32
      %mul3A_248 = vector.broadcast %mul3A_247 : i32 to vector<16xi32>
      %mul3A_249 = arith.muli %add3A_246, %mul3A_248 : vector<16xi32>
      %add3A_250 = arith.addi %mul3A_249, %get3A_237 : vector<16xi32>
      %swap3A_251 = arith.constant 112 : index
      %swap3A_252 = tpu.vector_load %arg7[%swap3A_251] {strides = array<i32>} : memref<200xi32, #tpu.memory_space<vmem>>, vector<16xi32>,
      %swap3A_253 = vector.shape_cast %swap3A_252 : vector<16xi32> to vector<16xi32>
      %swap3A_254 = vector.shape_cast %add3A_250 : vector<16xi32> to vector<16xi32>
      tpu.vector_store %arg7[%swap3A_251], %swap3A_254 {strides = array<i32>} : memref<200xi32, #tpu.memory_space<vmem>>, vector<16xi32>,
      %get3A_255 = arith.constant 0 : i32
      %get3A_256 = arith.index_cast %get3A_255 : i32 to index
      %get3A_257 = arith.constant 128 : index
      %get3A_258 = tpu.vector_load %arg6[%get3A_256, %get3A_257] {strides = array<i32>} : memref<2x200xi32, #tpu.memory_space<vmem>>, vector<1x16xi32>,
      %get3A_259 = vector.shape_cast %get3A_258 : vector<1x16xi32> to vector<16xi32>
      %get3A_260 = arith.constant 1 : i32
      %get3A_261 = arith.index_cast %get3A_260 : i32 to index
      %get3A_262 = arith.constant 128 : index
      %get3A_263 = tpu.vector_load %arg6[%get3A_261, %get3A_262] {strides = array<i32>} : memref<2x200xi32, #tpu.memory_space<vmem>>, vector<1x16xi32>,
      %get3A_264 = vector.shape_cast %get3A_263 : vector<1x16xi32> to vector<16xi32>
      %mul3A_265 = arith.constant 224 : i32
      %mul3A_266 = arith.muli %select_n3A_54, %mul3A_265 : i32
      %add3A_267 = vector.broadcast %mul3A_266 : i32 to vector<16xi32>
      %add3A_268 = arith.addi %add3A_267, %get3A_264 : vector<16xi32>
      %mul3A_269 = arith.constant 224 : i32
      %mul3A_270 = vector.broadcast %mul3A_269 : i32 to vector<16xi32>
      %mul3A_271 = arith.muli %add3A_268, %mul3A_270 : vector<16xi32>
      %add3A_272 = arith.addi %mul3A_271, %get3A_259 : vector<16xi32>
      %swap3A_273 = arith.constant 128 : index
      %swap3A_274 = tpu.vector_load %arg7[%swap3A_273] {strides = array<i32>} : memref<200xi32, #tpu.memory_space<vmem>>, vector<16xi32>,
      %swap3A_275 = vector.shape_cast %swap3A_274 : vector<16xi32> to vector<16xi32>
      %swap3A_276 = vector.shape_cast %add3A_272 : vector<16xi32> to vector<16xi32>
      tpu.vector_store %arg7[%swap3A_273], %swap3A_276 {strides = array<i32>} : memref<200xi32, #tpu.memory_space<vmem>>, vector<16xi32>,
      %get3A_277 = arith.constant 0 : i32
      %get3A_278 = arith.index_cast %get3A_277 : i32 to index
      %get3A_279 = arith.constant 144 : index
      %get3A_280 = tpu.vector_load %arg6[%get3A_278, %get3A_279] {strides = array<i32>} : memref<2x200xi32, #tpu.memory_space<vmem>>, vector<1x16xi32>,
      %get3A_281 = vector.shape_cast %get3A_280 : vector<1x16xi32> to vector<16xi32>
      %get3A_282 = arith.constant 1 : i32
      %get3A_283 = arith.index_cast %get3A_282 : i32 to index
      %get3A_284 = arith.constant 144 : index
      %get3A_285 = tpu.vector_load %arg6[%get3A_283, %get3A_284] {strides = array<i32>} : memref<2x200xi32, #tpu.memory_space<vmem>>, vector<1x16xi32>,
      %get3A_286 = vector.shape_cast %get3A_285 : vector<1x16xi32> to vector<16xi32>
      %mul3A_287 = arith.constant 224 : i32
      %mul3A_288 = arith.muli %select_n3A_54, %mul3A_287 : i32
      %add3A_289 = vector.broadcast %mul3A_288 : i32 to vector<16xi32>
      %add3A_290 = arith.addi %add3A_289, %get3A_286 : vector<16xi32>
      %mul3A_291 = arith.constant 224 : i32
      %mul3A_292 = vector.broadcast %mul3A_291 : i32 to vector<16xi32>
      %mul3A_293 = arith.muli %add3A_290, %mul3A_292 : vector<16xi32>
      %add3A_294 = arith.addi %mul3A_293, %get3A_281 : vector<16xi32>
      %swap3A_295 = arith.constant 144 : index
      %swap3A_296 = tpu.vector_load %arg7[%swap3A_295] {strides = array<i32>} : memref<200xi32, #tpu.memory_space<vmem>>, vector<16xi32>,
      %swap3A_297 = vector.shape_cast %swap3A_296 : vector<16xi32> to vector<16xi32>
      %swap3A_298 = vector.shape_cast %add3A_294 : vector<16xi32> to vector<16xi32>
      tpu.vector_store %arg7[%swap3A_295], %swap3A_298 {strides = array<i32>} : memref<200xi32, #tpu.memory_space<vmem>>, vector<16xi32>,
      %get3A_299 = arith.constant 0 : i32
      %get3A_300 = arith.index_cast %get3A_299 : i32 to index
      %get3A_301 = arith.constant 160 : index
      %get3A_302 = tpu.vector_load %arg6[%get3A_300, %get3A_301] {strides = array<i32>} : memref<2x200xi32, #tpu.memory_space<vmem>>, vector<1x16xi32>,
      %get3A_303 = vector.shape_cast %get3A_302 : vector<1x16xi32> to vector<16xi32>
      %get3A_304 = arith.constant 1 : i32
      %get3A_305 = arith.index_cast %get3A_304 : i32 to index
      %get3A_306 = arith.constant 160 : index
      %get3A_307 = tpu.vector_load %arg6[%get3A_305, %get3A_306] {strides = array<i32>} : memref<2x200xi32, #tpu.memory_space<vmem>>, vector<1x16xi32>,
      %get3A_308 = vector.shape_cast %get3A_307 : vector<1x16xi32> to vector<16xi32>
      %mul3A_309 = arith.constant 224 : i32
      %mul3A_310 = arith.muli %select_n3A_54, %mul3A_309 : i32
      %add3A_311 = vector.broadcast %mul3A_310 : i32 to vector<16xi32>
      %add3A_312 = arith.addi %add3A_311, %get3A_308 : vector<16xi32>
      %mul3A_313 = arith.constant 224 : i32
      %mul3A_314 = vector.broadcast %mul3A_313 : i32 to vector<16xi32>
      %mul3A_315 = arith.muli %add3A_312, %mul3A_314 : vector<16xi32>
      %add3A_316 = arith.addi %mul3A_315, %get3A_303 : vector<16xi32>
      %swap3A_317 = arith.constant 160 : index
      %swap3A_318 = tpu.vector_load %arg7[%swap3A_317] {strides = array<i32>} : memref<200xi32, #tpu.memory_space<vmem>>, vector<16xi32>,
      %swap3A_319 = vector.shape_cast %swap3A_318 : vector<16xi32> to vector<16xi32>
      %swap3A_320 = vector.shape_cast %add3A_316 : vector<16xi32> to vector<16xi32>
      tpu.vector_store %arg7[%swap3A_317], %swap3A_320 {strides = array<i32>} : memref<200xi32, #tpu.memory_space<vmem>>, vector<16xi32>,
      %get3A_321 = arith.constant 0 : i32
      %get3A_322 = arith.index_cast %get3A_321 : i32 to index
      %get3A_323 = arith.constant 176 : index
      %get3A_324 = tpu.vector_load %arg6[%get3A_322, %get3A_323] {strides = array<i32>} : memref<2x200xi32, #tpu.memory_space<vmem>>, vector<1x16xi32>,
      %get3A_325 = vector.shape_cast %get3A_324 : vector<1x16xi32> to vector<16xi32>
      %get3A_326 = arith.constant 1 : i32
      %get3A_327 = arith.index_cast %get3A_326 : i32 to index
      %get3A_328 = arith.constant 176 : index
      %get3A_329 = tpu.vector_load %arg6[%get3A_327, %get3A_328] {strides = array<i32>} : memref<2x200xi32, #tpu.memory_space<vmem>>, vector<1x16xi32>,
      %get3A_330 = vector.shape_cast %get3A_329 : vector<1x16xi32> to vector<16xi32>
      %mul3A_331 = arith.constant 224 : i32
      %mul3A_332 = arith.muli %select_n3A_54, %mul3A_331 : i32
      %add3A_333 = vector.broadcast %mul3A_332 : i32 to vector<16xi32>
      %add3A_334 = arith.addi %add3A_333, %get3A_330 : vector<16xi32>
      %mul3A_335 = arith.constant 224 : i32
      %mul3A_336 = vector.broadcast %mul3A_335 : i32 to vector<16xi32>
      %mul3A_337 = arith.muli %add3A_334, %mul3A_336 : vector<16xi32>
      %add3A_338 = arith.addi %mul3A_337, %get3A_325 : vector<16xi32>
      %swap3A_339 = arith.constant 176 : index
      %swap3A_340 = tpu.vector_load %arg7[%swap3A_339] {strides = array<i32>} : memref<200xi32, #tpu.memory_space<vmem>>, vector<16xi32>,
      %swap3A_341 = vector.shape_cast %swap3A_340 : vector<16xi32> to vector<16xi32>
      %swap3A_342 = vector.shape_cast %add3A_338 : vector<16xi32> to vector<16xi32>
      tpu.vector_store %arg7[%swap3A_339], %swap3A_342 {strides = array<i32>} : memref<200xi32, #tpu.memory_space<vmem>>, vector<16xi32>,
      %get3A_343 = arith.constant 0 : i32
      %get3A_344 = arith.index_cast %get3A_343 : i32 to index
      %get3A_345 = arith.constant 184 : index
      %get3A_346 = tpu.vector_load %arg6[%get3A_344, %get3A_345] {strides = array<i32>} : memref<2x200xi32, #tpu.memory_space<vmem>>, vector<1x16xi32>,
      %get3A_347 = vector.shape_cast %get3A_346 : vector<1x16xi32> to vector<16xi32>
      %get3A_348 = arith.constant 1 : i32
      %get3A_349 = arith.index_cast %get3A_348 : i32 to index
      %get3A_350 = arith.constant 184 : index
      %get3A_351 = tpu.vector_load %arg6[%get3A_349, %get3A_350] {strides = array<i32>} : memref<2x200xi32, #tpu.memory_space<vmem>>, vector<1x16xi32>,
      %get3A_352 = vector.shape_cast %get3A_351 : vector<1x16xi32> to vector<16xi32>
      %mul3A_353 = arith.constant 224 : i32
      %mul3A_354 = arith.muli %select_n3A_54, %mul3A_353 : i32
      %add3A_355 = vector.broadcast %mul3A_354 : i32 to vector<16xi32>
      %add3A_356 = arith.addi %add3A_355, %get3A_352 : vector<16xi32>
      %mul3A_357 = arith.constant 224 : i32
      %mul3A_358 = vector.broadcast %mul3A_357 : i32 to vector<16xi32>
      %mul3A_359 = arith.muli %add3A_356, %mul3A_358 : vector<16xi32>
      %add3A_360 = arith.addi %mul3A_359, %get3A_347 : vector<16xi32>
      %swap3A_361 = arith.constant 184 : index
      %swap3A_362 = tpu.vector_load %arg7[%swap3A_361] {strides = array<i32>} : memref<200xi32, #tpu.memory_space<vmem>>, vector<16xi32>,
      %swap3A_363 = vector.shape_cast %swap3A_362 : vector<16xi32> to vector<16xi32>
      %swap3A_364 = vector.shape_cast %add3A_360 : vector<16xi32> to vector<16xi32>
      tpu.vector_store %arg7[%swap3A_361], %swap3A_364 {strides = array<i32>} : memref<200xi32, #tpu.memory_space<vmem>>, vector<16xi32>,
      %dma_start3A = arith.constant 0 : i32
      %dma_start3A_365 = arith.constant 0 : i32
      %dma_start3A_366 = tpu.memref_slice %arg8[%dma_start3A, %dma_start3A_365] : memref<104x384xf32, #tpu.memory_space<vmem>> -> memref<56x384xf32, #tpu.memory_space<vmem>>
      %dma_start3A_367 = tpu.memref_slice %arg7[%mul3A_72] : memref<200xi32, #tpu.memory_space<vmem>> -> memref<56xi32, #tpu.memory_space<vmem>>
      %dma_start3A_368 = arith.constant 0 : i32
      %dma_start3A_369 = arith.constant 0 : i32
      %dma_start3A_370 = tpu.memref_slice %arg2[%dma_start3A_368, %dma_start3A_369] : memref<401408x384xf32, #tpu.memory_space<hbm>> -> memref<401408x384xf32, #tpu.memory_space<hbm>>
      tpu.enqueue_indirect_dma source(%dma_start3A_370 : memref<401408x384xf32, #tpu.memory_space<hbm>>) target(%dma_start3A_366 : memref<56x384xf32, #tpu.memory_space<vmem>>) offsets(%dma_start3A_367 : memref<56xi32, #tpu.memory_space<vmem>>) semaphore(%arg9 : memref<!tpu.dma_semaphore, #tpu.memory_space<semaphore_mem>>)
      %add3A_371 = arith.constant 56 : i32
      %add3A_372 = arith.addi %mul3A_72, %add3A_371 : i32
      %dma_start3A_373 = arith.constant 56 : i32
      %dma_start3A_374 = arith.constant 0 : i32
      %dma_start3A_375 = tpu.memref_slice %arg8[%dma_start3A_373, %dma_start3A_374] : memref<104x384xf32, #tpu.memory_space<vmem>> -> memref<48x384xf32, #tpu.memory_space<vmem>>
      %dma_start3A_376 = tpu.memref_slice %arg7[%add3A_372] : memref<200xi32, #tpu.memory_space<vmem>> -> memref<48xi32, #tpu.memory_space<vmem>>
      %dma_start3A_377 = arith.constant 0 : i32
      %dma_start3A_378 = arith.constant 0 : i32
      %dma_start3A_379 = tpu.memref_slice %arg2[%dma_start3A_377, %dma_start3A_378] : memref<401408x384xf32, #tpu.memory_space<hbm>> -> memref<401408x384xf32, #tpu.memory_space<hbm>>
      tpu.enqueue_indirect_dma source(%dma_start3A_379 : memref<401408x384xf32, #tpu.memory_space<hbm>>) target(%dma_start3A_375 : memref<48x384xf32, #tpu.memory_space<vmem>>) offsets(%dma_start3A_376 : memref<48xi32, #tpu.memory_space<vmem>>) semaphore(%arg10 : memref<!tpu.dma_semaphore, #tpu.memory_space<semaphore_mem>>)
      %mul3A_380 = arith.constant 1600 : i32
      %mul3A_381 = arith.muli %select_n3A_40, %mul3A_380 : i32
      %mul3A_382 = arith.constant 200 : i32
      %mul3A_383 = arith.muli %select_n3A_54, %mul3A_382 : i32
      %add3A_384 = arith.addi %mul3A_381, %mul3A_383 : i32
      %add3A_385 = arith.addi %add3A_384, %mul3A_72 : i32
      %dma_wait3A = arith.constant 0 : i32
      %dma_wait3A_386 = arith.constant 0 : i32
      %dma_wait3A_387 = tpu.memref_slice %arg8[%dma_wait3A, %dma_wait3A_386] : memref<104x384xf32, #tpu.memory_space<vmem>> -> memref<56x384xf32, #tpu.memory_space<vmem>>
      %dma_wait3A_388 = tpu.memref_slice %arg7[%mul3A_72] : memref<200xi32, #tpu.memory_space<vmem>> -> memref<56xi32, #tpu.memory_space<vmem>>
      %dma_wait3A_389 = arith.constant 0 : i32
      %dma_wait3A_390 = arith.constant 0 : i32
      %dma_wait3A_391 = tpu.memref_slice %arg2[%dma_wait3A_389, %dma_wait3A_390] : memref<401408x384xf32, #tpu.memory_space<hbm>> -> memref<401408x384xf32, #tpu.memory_space<hbm>>
      tpu.wait_indirect_dma semaphore(%arg9 : memref<!tpu.dma_semaphore, #tpu.memory_space<semaphore_mem>>) src(%dma_wait3A_391 : memref<401408x384xf32, #tpu.memory_space<hbm>>) dst(%dma_wait3A_387 : memref<56x384xf32, #tpu.memory_space<vmem>>)
      "tpu.region"() ({
        %run_scoped3A = tpu.sem_alloc : memref<!tpu.dma_semaphore, #tpu.memory_space<semaphore_mem>>
        %dma_start3A_401 = arith.constant 0 : i32
        %dma_start3A_402 = arith.constant 0 : i32
        %dma_start3A_403 = tpu.memref_slice %arg8[%dma_start3A_401, %dma_start3A_402] : memref<104x384xf32, #tpu.memory_space<vmem>> -> memref<56x384xf32, #tpu.memory_space<vmem>>
        %dma_start3A_404 = arith.constant 0 : i32
        %dma_start3A_405 = tpu.memref_slice %arg5[%add3A_385, %dma_start3A_404] : memref<3200x384xf32, #tpu.memory_space<hbm>> -> memref<56x384xf32, #tpu.memory_space<hbm>>
        %dma_start3A_406 = arith.constant 0 : i32
        %dma_start3A_407 = tpu.memref_slice %arg5[%add3A_385, %dma_start3A_406] : memref<3200x384xf32, #tpu.memory_space<hbm>> -> memref<56x384xf32, #tpu.memory_space<hbm>>
        %dma_start3A_408 = arith.constant 0 : i32
        %dma_start3A_409 = arith.constant 0 : i32
        %dma_start3A_410 = tpu.memref_slice %arg8[%dma_start3A_408, %dma_start3A_409] : memref<104x384xf32, #tpu.memory_space<vmem>> -> memref<56x384xf32, #tpu.memory_space<vmem>>
        tpu.enqueue_dma source(%dma_start3A_410 : memref<56x384xf32, #tpu.memory_space<vmem>>) target(%dma_start3A_407 : memref<56x384xf32, #tpu.memory_space<hbm>>) target_semaphore(%run_scoped3A : memref<!tpu.dma_semaphore, #tpu.memory_space<semaphore_mem>>)
        %dma_wait3A_411 = arith.constant 0 : i32
        %dma_wait3A_412 = arith.constant 0 : i32
        %dma_wait3A_413 = tpu.memref_slice %arg8[%dma_wait3A_411, %dma_wait3A_412] : memref<104x384xf32, #tpu.memory_space<vmem>> -> memref<56x384xf32, #tpu.memory_space<vmem>>
        %dma_wait3A_414 = arith.constant 0 : i32
        %dma_wait3A_415 = tpu.memref_slice %arg5[%add3A_385, %dma_wait3A_414] : memref<3200x384xf32, #tpu.memory_space<hbm>> -> memref<56x384xf32, #tpu.memory_space<hbm>>
        %dma_wait3A_416 = arith.constant 0 : i32
        %dma_wait3A_417 = tpu.memref_slice %arg5[%add3A_385, %dma_wait3A_416] : memref<3200x384xf32, #tpu.memory_space<hbm>> -> memref<56x384xf32, #tpu.memory_space<hbm>>
        %dma_wait3A_418 = arith.constant 0 : i32
        %dma_wait3A_419 = arith.constant 0 : i32
        %dma_wait3A_420 = tpu.memref_slice %arg8[%dma_wait3A_418, %dma_wait3A_419] : memref<104x384xf32, #tpu.memory_space<vmem>> -> memref<56x384xf32, #tpu.memory_space<vmem>>
        tpu.wait_dma2 semaphore(%run_scoped3A : memref<!tpu.dma_semaphore, #tpu.memory_space<semaphore_mem>>) src(%dma_wait3A_420 : memref<56x384xf32, #tpu.memory_space<vmem>>) dst(%dma_wait3A_417 : memref<56x384xf32, #tpu.memory_space<hbm>>)
        tpu.yield
      }) : () -> ()
      %dma_wait3A_392 = arith.constant 56 : i32
      %dma_wait3A_393 = arith.constant 0 : i32
      %dma_wait3A_394 = tpu.memref_slice %arg8[%dma_wait3A_392, %dma_wait3A_393] : memref<104x384xf32, #tpu.memory_space<vmem>> -> memref<48x384xf32, #tpu.memory_space<vmem>>
      %dma_wait3A_395 = tpu.memref_slice %arg7[%add3A_372] : memref<200xi32, #tpu.memory_space<vmem>> -> memref<48xi32, #tpu.memory_space<vmem>>
      %dma_wait3A_396 = arith.constant 0 : i32
      %dma_wait3A_397 = arith.constant 0 : i32
      %dma_wait3A_398 = tpu.memref_slice %arg2[%dma_wait3A_396, %dma_wait3A_397] : memref<401408x384xf32, #tpu.memory_space<hbm>> -> memref<401408x384xf32, #tpu.memory_space<hbm>>
      tpu.wait_indirect_dma semaphore(%arg10 : memref<!tpu.dma_semaphore, #tpu.memory_space<semaphore_mem>>) src(%dma_wait3A_398 : memref<401408x384xf32, #tpu.memory_space<hbm>>) dst(%dma_wait3A_394 : memref<48x384xf32, #tpu.memory_space<vmem>>)
      %add3A_399 = arith.constant 56 : i32
      %add3A_400 = arith.addi %add3A_385, %add3A_399 : i32
      "tpu.region"() ({
        %run_scoped3A = tpu.sem_alloc : memref<!tpu.dma_semaphore, #tpu.memory_space<semaphore_mem>>
        %dma_start3A_401 = arith.constant 56 : i32
        %dma_start3A_402 = arith.constant 0 : i32
        %dma_start3A_403 = tpu.memref_slice %arg8[%dma_start3A_401, %dma_start3A_402] : memref<104x384xf32, #tpu.memory_space<vmem>> -> memref<48x384xf32, #tpu.memory_space<vmem>>
        %dma_start3A_404 = arith.constant 0 : i32
        %dma_start3A_405 = tpu.memref_slice %arg5[%add3A_400, %dma_start3A_404] : memref<3200x384xf32, #tpu.memory_space<hbm>> -> memref<48x384xf32, #tpu.memory_space<hbm>>
        %dma_start3A_406 = arith.constant 0 : i32
        %dma_start3A_407 = tpu.memref_slice %arg5[%add3A_400, %dma_start3A_406] : memref<3200x384xf32, #tpu.memory_space<hbm>> -> memref<48x384xf32, #tpu.memory_space<hbm>>
        %dma_start3A_408 = arith.constant 56 : i32
        %dma_start3A_409 = arith.constant 0 : i32
        %dma_start3A_410 = tpu.memref_slice %arg8[%dma_start3A_408, %dma_start3A_409] : memref<104x384xf32, #tpu.memory_space<vmem>> -> memref<48x384xf32, #tpu.memory_space<vmem>>
        tpu.enqueue_dma source(%dma_start3A_410 : memref<48x384xf32, #tpu.memory_space<vmem>>) target(%dma_start3A_407 : memref<48x384xf32, #tpu.memory_space<hbm>>) target_semaphore(%run_scoped3A : memref<!tpu.dma_semaphore, #tpu.memory_space<semaphore_mem>>)
        %dma_wait3A_411 = arith.constant 56 : i32
        %dma_wait3A_412 = arith.constant 0 : i32
        %dma_wait3A_413 = tpu.memref_slice %arg8[%dma_wait3A_411, %dma_wait3A_412] : memref<104x384xf32, #tpu.memory_space<vmem>> -> memref<48x384xf32, #tpu.memory_space<vmem>>
        %dma_wait3A_414 = arith.constant 0 : i32
        %dma_wait3A_415 = tpu.memref_slice %arg5[%add3A_400, %dma_wait3A_414] : memref<3200x384xf32, #tpu.memory_space<hbm>> -> memref<48x384xf32, #tpu.memory_space<hbm>>
        %dma_wait3A_416 = arith.constant 0 : i32
        %dma_wait3A_417 = tpu.memref_slice %arg5[%add3A_400, %dma_wait3A_416] : memref<3200x384xf32, #tpu.memory_space<hbm>> -> memref<48x384xf32, #tpu.memory_space<hbm>>
        %dma_wait3A_418 = arith.constant 56 : i32
        %dma_wait3A_419 = arith.constant 0 : i32
        %dma_wait3A_420 = tpu.memref_slice %arg8[%dma_wait3A_418, %dma_wait3A_419] : memref<104x384xf32, #tpu.memory_space<vmem>> -> memref<48x384xf32, #tpu.memory_space<vmem>>
        tpu.wait_dma2 semaphore(%run_scoped3A : memref<!tpu.dma_semaphore, #tpu.memory_space<semaphore_mem>>) src(%dma_wait3A_420 : memref<48x384xf32, #tpu.memory_space<vmem>>) dst(%dma_wait3A_417 : memref<48x384xf32, #tpu.memory_space<hbm>>)
        tpu.yield
      }) : () -> ()
    } else {
    }
    %eq3A_76 = arith.constant 1 : i32
    %eq3A_77 = arith.cmpi eq, %select_n3A_40, %eq3A_76 : i32
    %convert_element_type3A_78 = arith.extui %eq3A_77 : i1 to i32
    %cond3A_79 = arith.constant 0 : i32
    %cond3A_80 = arith.cmpi ne, %convert_element_type3A_78, %cond3A_79 : i32
    scf.if %cond3A_80 {
      "tpu.region"() ({
        %run_scoped3A = tpu.sem_alloc : memref<!tpu.dma_semaphore, #tpu.memory_space<semaphore_mem>>
        %dma_start3A_401 = arith.constant 0 : i32
        %dma_start3A_402 = arith.constant 0 : i32
        %dma_start3A_403 = tpu.memref_slice %arg4[%select_n3A_54, %dma_start3A_401, %dma_start3A_402] : memref<8x2x200xi32, #tpu.memory_space<hbm>> -> memref<1x2x200xi32, #tpu.memory_space<hbm>>
        %dma_start3A_404 = tpu.memref_squeeze %dma_start3A_403 : memref<1x2x200xi32, #tpu.memory_space<hbm>> -> memref<2x200xi32, #tpu.memory_space<hbm>>
        %dma_start3A_405 = arith.constant 0 : i32
        %dma_start3A_406 = arith.constant 0 : i32
        %dma_start3A_407 = tpu.memref_slice %arg4[%select_n3A_54, %dma_start3A_405, %dma_start3A_406] : memref<8x2x200xi32, #tpu.memory_space<hbm>> -> memref<1x2x200xi32, #tpu.memory_space<hbm>>
        %dma_start3A_408 = tpu.memref_squeeze %dma_start3A_407 : memref<1x2x200xi32, #tpu.memory_space<hbm>> -> memref<2x200xi32, #tpu.memory_space<hbm>>
        tpu.enqueue_dma source(%dma_start3A_408 : memref<2x200xi32, #tpu.memory_space<hbm>>) target(%arg6 : memref<2x200xi32, #tpu.memory_space<vmem>>) target_semaphore(%run_scoped3A : memref<!tpu.dma_semaphore, #tpu.memory_space<semaphore_mem>>)
        %dma_wait3A_409 = arith.constant 0 : i32
        %dma_wait3A_410 = arith.constant 0 : i32
        %dma_wait3A_411 = tpu.memref_slice %arg4[%select_n3A_54, %dma_wait3A_409, %dma_wait3A_410] : memref<8x2x200xi32, #tpu.memory_space<hbm>> -> memref<1x2x200xi32, #tpu.memory_space<hbm>>
        %dma_wait3A_412 = tpu.memref_squeeze %dma_wait3A_411 : memref<1x2x200xi32, #tpu.memory_space<hbm>> -> memref<2x200xi32, #tpu.memory_space<hbm>>
        %dma_wait3A_413 = arith.constant 0 : i32
        %dma_wait3A_414 = arith.constant 0 : i32
        %dma_wait3A_415 = tpu.memref_slice %arg4[%select_n3A_54, %dma_wait3A_413, %dma_wait3A_414] : memref<8x2x200xi32, #tpu.memory_space<hbm>> -> memref<1x2x200xi32, #tpu.memory_space<hbm>>
        %dma_wait3A_416 = tpu.memref_squeeze %dma_wait3A_415 : memref<1x2x200xi32, #tpu.memory_space<hbm>> -> memref<2x200xi32, #tpu.memory_space<hbm>>
        tpu.wait_dma2 semaphore(%run_scoped3A : memref<!tpu.dma_semaphore, #tpu.memory_space<semaphore_mem>>) src(%dma_wait3A_416 : memref<2x200xi32, #tpu.memory_space<hbm>>) dst(%arg6 : memref<2x200xi32, #tpu.memory_space<vmem>>)
        tpu.yield
      }) : () -> ()
      %get3A = arith.constant 0 : i32
      %get3A_81 = arith.index_cast %get3A : i32 to index
      %get3A_82 = arith.constant 0 : index
      %get3A_83 = tpu.vector_load %arg6[%get3A_81, %get3A_82] {strides = array<i32>} : memref<2x200xi32, #tpu.memory_space<vmem>>, vector<1x16xi32>,
      %get3A_84 = vector.shape_cast %get3A_83 : vector<1x16xi32> to vector<16xi32>
      %get3A_85 = arith.constant 1 : i32
      %get3A_86 = arith.index_cast %get3A_85 : i32 to index
      %get3A_87 = arith.constant 0 : index
      %get3A_88 = tpu.vector_load %arg6[%get3A_86, %get3A_87] {strides = array<i32>} : memref<2x200xi32, #tpu.memory_space<vmem>>, vector<1x16xi32>,
      %get3A_89 = vector.shape_cast %get3A_88 : vector<1x16xi32> to vector<16xi32>
      %mul3A_90 = arith.constant 224 : i32
      %mul3A_91 = arith.muli %select_n3A_54, %mul3A_90 : i32
      %add3A_92 = vector.broadcast %mul3A_91 : i32 to vector<16xi32>
      %add3A_93 = arith.addi %add3A_92, %get3A_89 : vector<16xi32>
      %mul3A_94 = arith.constant 224 : i32
      %mul3A_95 = vector.broadcast %mul3A_94 : i32 to vector<16xi32>
      %mul3A_96 = arith.muli %add3A_93, %mul3A_95 : vector<16xi32>
      %add3A_97 = arith.addi %mul3A_96, %get3A_84 : vector<16xi32>
      %swap3A = arith.constant 0 : index
      %swap3A_98 = tpu.vector_load %arg7[%swap3A] {strides = array<i32>} : memref<200xi32, #tpu.memory_space<vmem>>, vector<16xi32>,
      %swap3A_99 = vector.shape_cast %swap3A_98 : vector<16xi32> to vector<16xi32>
      %swap3A_100 = vector.shape_cast %add3A_97 : vector<16xi32> to vector<16xi32>
      tpu.vector_store %arg7[%swap3A], %swap3A_100 {strides = array<i32>} : memref<200xi32, #tpu.memory_space<vmem>>, vector<16xi32>,
      %get3A_101 = arith.constant 0 : i32
      %get3A_102 = arith.index_cast %get3A_101 : i32 to index
      %get3A_103 = arith.constant 16 : index
      %get3A_104 = tpu.vector_load %arg6[%get3A_102, %get3A_103] {strides = array<i32>} : memref<2x200xi32, #tpu.memory_space<vmem>>, vector<1x16xi32>,
      %get3A_105 = vector.shape_cast %get3A_104 : vector<1x16xi32> to vector<16xi32>
      %get3A_106 = arith.constant 1 : i32
      %get3A_107 = arith.index_cast %get3A_106 : i32 to index
      %get3A_108 = arith.constant 16 : index
      %get3A_109 = tpu.vector_load %arg6[%get3A_107, %get3A_108] {strides = array<i32>} : memref<2x200xi32, #tpu.memory_space<vmem>>, vector<1x16xi32>,
      %get3A_110 = vector.shape_cast %get3A_109 : vector<1x16xi32> to vector<16xi32>
      %mul3A_111 = arith.constant 224 : i32
      %mul3A_112 = arith.muli %select_n3A_54, %mul3A_111 : i32
      %add3A_113 = vector.broadcast %mul3A_112 : i32 to vector<16xi32>
      %add3A_114 = arith.addi %add3A_113, %get3A_110 : vector<16xi32>
      %mul3A_115 = arith.constant 224 : i32
      %mul3A_116 = vector.broadcast %mul3A_115 : i32 to vector<16xi32>
      %mul3A_117 = arith.muli %add3A_114, %mul3A_116 : vector<16xi32>
      %add3A_118 = arith.addi %mul3A_117, %get3A_105 : vector<16xi32>
      %swap3A_119 = arith.constant 16 : index
      %swap3A_120 = tpu.vector_load %arg7[%swap3A_119] {strides = array<i32>} : memref<200xi32, #tpu.memory_space<vmem>>, vector<16xi32>,
      %swap3A_121 = vector.shape_cast %swap3A_120 : vector<16xi32> to vector<16xi32>
      %swap3A_122 = vector.shape_cast %add3A_118 : vector<16xi32> to vector<16xi32>
      tpu.vector_store %arg7[%swap3A_119], %swap3A_122 {strides = array<i32>} : memref<200xi32, #tpu.memory_space<vmem>>, vector<16xi32>,
      %get3A_123 = arith.constant 0 : i32
      %get3A_124 = arith.index_cast %get3A_123 : i32 to index
      %get3A_125 = arith.constant 32 : index
      %get3A_126 = tpu.vector_load %arg6[%get3A_124, %get3A_125] {strides = array<i32>} : memref<2x200xi32, #tpu.memory_space<vmem>>, vector<1x16xi32>,
      %get3A_127 = vector.shape_cast %get3A_126 : vector<1x16xi32> to vector<16xi32>
      %get3A_128 = arith.constant 1 : i32
      %get3A_129 = arith.index_cast %get3A_128 : i32 to index
      %get3A_130 = arith.constant 32 : index
      %get3A_131 = tpu.vector_load %arg6[%get3A_129, %get3A_130] {strides = array<i32>} : memref<2x200xi32, #tpu.memory_space<vmem>>, vector<1x16xi32>,
      %get3A_132 = vector.shape_cast %get3A_131 : vector<1x16xi32> to vector<16xi32>
      %mul3A_133 = arith.constant 224 : i32
      %mul3A_134 = arith.muli %select_n3A_54, %mul3A_133 : i32
      %add3A_135 = vector.broadcast %mul3A_134 : i32 to vector<16xi32>
      %add3A_136 = arith.addi %add3A_135, %get3A_132 : vector<16xi32>
      %mul3A_137 = arith.constant 224 : i32
      %mul3A_138 = vector.broadcast %mul3A_137 : i32 to vector<16xi32>
      %mul3A_139 = arith.muli %add3A_136, %mul3A_138 : vector<16xi32>
      %add3A_140 = arith.addi %mul3A_139, %get3A_127 : vector<16xi32>
      %swap3A_141 = arith.constant 32 : index
      %swap3A_142 = tpu.vector_load %arg7[%swap3A_141] {strides = array<i32>} : memref<200xi32, #tpu.memory_space<vmem>>, vector<16xi32>,
      %swap3A_143 = vector.shape_cast %swap3A_142 : vector<16xi32> to vector<16xi32>
      %swap3A_144 = vector.shape_cast %add3A_140 : vector<16xi32> to vector<16xi32>
      tpu.vector_store %arg7[%swap3A_141], %swap3A_144 {strides = array<i32>} : memref<200xi32, #tpu.memory_space<vmem>>, vector<16xi32>,
      %get3A_145 = arith.constant 0 : i32
      %get3A_146 = arith.index_cast %get3A_145 : i32 to index
      %get3A_147 = arith.constant 48 : index
      %get3A_148 = tpu.vector_load %arg6[%get3A_146, %get3A_147] {strides = array<i32>} : memref<2x200xi32, #tpu.memory_space<vmem>>, vector<1x16xi32>,
      %get3A_149 = vector.shape_cast %get3A_148 : vector<1x16xi32> to vector<16xi32>
      %get3A_150 = arith.constant 1 : i32
      %get3A_151 = arith.index_cast %get3A_150 : i32 to index
      %get3A_152 = arith.constant 48 : index
      %get3A_153 = tpu.vector_load %arg6[%get3A_151, %get3A_152] {strides = array<i32>} : memref<2x200xi32, #tpu.memory_space<vmem>>, vector<1x16xi32>,
      %get3A_154 = vector.shape_cast %get3A_153 : vector<1x16xi32> to vector<16xi32>
      %mul3A_155 = arith.constant 224 : i32
      %mul3A_156 = arith.muli %select_n3A_54, %mul3A_155 : i32
      %add3A_157 = vector.broadcast %mul3A_156 : i32 to vector<16xi32>
      %add3A_158 = arith.addi %add3A_157, %get3A_154 : vector<16xi32>
      %mul3A_159 = arith.constant 224 : i32
      %mul3A_160 = vector.broadcast %mul3A_159 : i32 to vector<16xi32>
      %mul3A_161 = arith.muli %add3A_158, %mul3A_160 : vector<16xi32>
      %add3A_162 = arith.addi %mul3A_161, %get3A_149 : vector<16xi32>
      %swap3A_163 = arith.constant 48 : index
      %swap3A_164 = tpu.vector_load %arg7[%swap3A_163] {strides = array<i32>} : memref<200xi32, #tpu.memory_space<vmem>>, vector<16xi32>,
      %swap3A_165 = vector.shape_cast %swap3A_164 : vector<16xi32> to vector<16xi32>
      %swap3A_166 = vector.shape_cast %add3A_162 : vector<16xi32> to vector<16xi32>
      tpu.vector_store %arg7[%swap3A_163], %swap3A_166 {strides = array<i32>} : memref<200xi32, #tpu.memory_space<vmem>>, vector<16xi32>,
      %get3A_167 = arith.constant 0 : i32
      %get3A_168 = arith.index_cast %get3A_167 : i32 to index
      %get3A_169 = arith.constant 64 : index
      %get3A_170 = tpu.vector_load %arg6[%get3A_168, %get3A_169] {strides = array<i32>} : memref<2x200xi32, #tpu.memory_space<vmem>>, vector<1x16xi32>,
      %get3A_171 = vector.shape_cast %get3A_170 : vector<1x16xi32> to vector<16xi32>
      %get3A_172 = arith.constant 1 : i32
      %get3A_173 = arith.index_cast %get3A_172 : i32 to index
      %get3A_174 = arith.constant 64 : index
      %get3A_175 = tpu.vector_load %arg6[%get3A_173, %get3A_174] {strides = array<i32>} : memref<2x200xi32, #tpu.memory_space<vmem>>, vector<1x16xi32>,
      %get3A_176 = vector.shape_cast %get3A_175 : vector<1x16xi32> to vector<16xi32>
      %mul3A_177 = arith.constant 224 : i32
      %mul3A_178 = arith.muli %select_n3A_54, %mul3A_177 : i32
      %add3A_179 = vector.broadcast %mul3A_178 : i32 to vector<16xi32>
      %add3A_180 = arith.addi %add3A_179, %get3A_176 : vector<16xi32>
      %mul3A_181 = arith.constant 224 : i32
      %mul3A_182 = vector.broadcast %mul3A_181 : i32 to vector<16xi32>
      %mul3A_183 = arith.muli %add3A_180, %mul3A_182 : vector<16xi32>
      %add3A_184 = arith.addi %mul3A_183, %get3A_171 : vector<16xi32>
      %swap3A_185 = arith.constant 64 : index
      %swap3A_186 = tpu.vector_load %arg7[%swap3A_185] {strides = array<i32>} : memref<200xi32, #tpu.memory_space<vmem>>, vector<16xi32>,
      %swap3A_187 = vector.shape_cast %swap3A_186 : vector<16xi32> to vector<16xi32>
      %swap3A_188 = vector.shape_cast %add3A_184 : vector<16xi32> to vector<16xi32>
      tpu.vector_store %arg7[%swap3A_185], %swap3A_188 {strides = array<i32>} : memref<200xi32, #tpu.memory_space<vmem>>, vector<16xi32>,
      %get3A_189 = arith.constant 0 : i32
      %get3A_190 = arith.index_cast %get3A_189 : i32 to index
      %get3A_191 = arith.constant 80 : index
      %get3A_192 = tpu.vector_load %arg6[%get3A_190, %get3A_191] {strides = array<i32>} : memref<2x200xi32, #tpu.memory_space<vmem>>, vector<1x16xi32>,
      %get3A_193 = vector.shape_cast %get3A_192 : vector<1x16xi32> to vector<16xi32>
      %get3A_194 = arith.constant 1 : i32
      %get3A_195 = arith.index_cast %get3A_194 : i32 to index
      %get3A_196 = arith.constant 80 : index
      %get3A_197 = tpu.vector_load %arg6[%get3A_195, %get3A_196] {strides = array<i32>} : memref<2x200xi32, #tpu.memory_space<vmem>>, vector<1x16xi32>,
      %get3A_198 = vector.shape_cast %get3A_197 : vector<1x16xi32> to vector<16xi32>
      %mul3A_199 = arith.constant 224 : i32
      %mul3A_200 = arith.muli %select_n3A_54, %mul3A_199 : i32
      %add3A_201 = vector.broadcast %mul3A_200 : i32 to vector<16xi32>
      %add3A_202 = arith.addi %add3A_201, %get3A_198 : vector<16xi32>
      %mul3A_203 = arith.constant 224 : i32
      %mul3A_204 = vector.broadcast %mul3A_203 : i32 to vector<16xi32>
      %mul3A_205 = arith.muli %add3A_202, %mul3A_204 : vector<16xi32>
      %add3A_206 = arith.addi %mul3A_205, %get3A_193 : vector<16xi32>
      %swap3A_207 = arith.constant 80 : index
      %swap3A_208 = tpu.vector_load %arg7[%swap3A_207] {strides = array<i32>} : memref<200xi32, #tpu.memory_space<vmem>>, vector<16xi32>,
      %swap3A_209 = vector.shape_cast %swap3A_208 : vector<16xi32> to vector<16xi32>
      %swap3A_210 = vector.shape_cast %add3A_206 : vector<16xi32> to vector<16xi32>
      tpu.vector_store %arg7[%swap3A_207], %swap3A_210 {strides = array<i32>} : memref<200xi32, #tpu.memory_space<vmem>>, vector<16xi32>,
      %get3A_211 = arith.constant 0 : i32
      %get3A_212 = arith.index_cast %get3A_211 : i32 to index
      %get3A_213 = arith.constant 96 : index
      %get3A_214 = tpu.vector_load %arg6[%get3A_212, %get3A_213] {strides = array<i32>} : memref<2x200xi32, #tpu.memory_space<vmem>>, vector<1x16xi32>,
      %get3A_215 = vector.shape_cast %get3A_214 : vector<1x16xi32> to vector<16xi32>
      %get3A_216 = arith.constant 1 : i32
      %get3A_217 = arith.index_cast %get3A_216 : i32 to index
      %get3A_218 = arith.constant 96 : index
      %get3A_219 = tpu.vector_load %arg6[%get3A_217, %get3A_218] {strides = array<i32>} : memref<2x200xi32, #tpu.memory_space<vmem>>, vector<1x16xi32>,
      %get3A_220 = vector.shape_cast %get3A_219 : vector<1x16xi32> to vector<16xi32>
      %mul3A_221 = arith.constant 224 : i32
      %mul3A_222 = arith.muli %select_n3A_54, %mul3A_221 : i32
      %add3A_223 = vector.broadcast %mul3A_222 : i32 to vector<16xi32>
      %add3A_224 = arith.addi %add3A_223, %get3A_220 : vector<16xi32>
      %mul3A_225 = arith.constant 224 : i32
      %mul3A_226 = vector.broadcast %mul3A_225 : i32 to vector<16xi32>
      %mul3A_227 = arith.muli %add3A_224, %mul3A_226 : vector<16xi32>
      %add3A_228 = arith.addi %mul3A_227, %get3A_215 : vector<16xi32>
      %swap3A_229 = arith.constant 96 : index
      %swap3A_230 = tpu.vector_load %arg7[%swap3A_229] {strides = array<i32>} : memref<200xi32, #tpu.memory_space<vmem>>, vector<16xi32>,
      %swap3A_231 = vector.shape_cast %swap3A_230 : vector<16xi32> to vector<16xi32>
      %swap3A_232 = vector.shape_cast %add3A_228 : vector<16xi32> to vector<16xi32>
      tpu.vector_store %arg7[%swap3A_229], %swap3A_232 {strides = array<i32>} : memref<200xi32, #tpu.memory_space<vmem>>, vector<16xi32>,
      %get3A_233 = arith.constant 0 : i32
      %get3A_234 = arith.index_cast %get3A_233 : i32 to index
      %get3A_235 = arith.constant 112 : index
      %get3A_236 = tpu.vector_load %arg6[%get3A_234, %get3A_235] {strides = array<i32>} : memref<2x200xi32, #tpu.memory_space<vmem>>, vector<1x16xi32>,
      %get3A_237 = vector.shape_cast %get3A_236 : vector<1x16xi32> to vector<16xi32>
      %get3A_238 = arith.constant 1 : i32
      %get3A_239 = arith.index_cast %get3A_238 : i32 to index
      %get3A_240 = arith.constant 112 : index
      %get3A_241 = tpu.vector_load %arg6[%get3A_239, %get3A_240] {strides = array<i32>} : memref<2x200xi32, #tpu.memory_space<vmem>>, vector<1x16xi32>,
      %get3A_242 = vector.shape_cast %get3A_241 : vector<1x16xi32> to vector<16xi32>
      %mul3A_243 = arith.constant 224 : i32
      %mul3A_244 = arith.muli %select_n3A_54, %mul3A_243 : i32
      %add3A_245 = vector.broadcast %mul3A_244 : i32 to vector<16xi32>
      %add3A_246 = arith.addi %add3A_245, %get3A_242 : vector<16xi32>
      %mul3A_247 = arith.constant 224 : i32
      %mul3A_248 = vector.broadcast %mul3A_247 : i32 to vector<16xi32>
      %mul3A_249 = arith.muli %add3A_246, %mul3A_248 : vector<16xi32>
      %add3A_250 = arith.addi %mul3A_249, %get3A_237 : vector<16xi32>
      %swap3A_251 = arith.constant 112 : index
      %swap3A_252 = tpu.vector_load %arg7[%swap3A_251] {strides = array<i32>} : memref<200xi32, #tpu.memory_space<vmem>>, vector<16xi32>,
      %swap3A_253 = vector.shape_cast %swap3A_252 : vector<16xi32> to vector<16xi32>
      %swap3A_254 = vector.shape_cast %add3A_250 : vector<16xi32> to vector<16xi32>
      tpu.vector_store %arg7[%swap3A_251], %swap3A_254 {strides = array<i32>} : memref<200xi32, #tpu.memory_space<vmem>>, vector<16xi32>,
      %get3A_255 = arith.constant 0 : i32
      %get3A_256 = arith.index_cast %get3A_255 : i32 to index
      %get3A_257 = arith.constant 128 : index
      %get3A_258 = tpu.vector_load %arg6[%get3A_256, %get3A_257] {strides = array<i32>} : memref<2x200xi32, #tpu.memory_space<vmem>>, vector<1x16xi32>,
      %get3A_259 = vector.shape_cast %get3A_258 : vector<1x16xi32> to vector<16xi32>
      %get3A_260 = arith.constant 1 : i32
      %get3A_261 = arith.index_cast %get3A_260 : i32 to index
      %get3A_262 = arith.constant 128 : index
      %get3A_263 = tpu.vector_load %arg6[%get3A_261, %get3A_262] {strides = array<i32>} : memref<2x200xi32, #tpu.memory_space<vmem>>, vector<1x16xi32>,
      %get3A_264 = vector.shape_cast %get3A_263 : vector<1x16xi32> to vector<16xi32>
      %mul3A_265 = arith.constant 224 : i32
      %mul3A_266 = arith.muli %select_n3A_54, %mul3A_265 : i32
      %add3A_267 = vector.broadcast %mul3A_266 : i32 to vector<16xi32>
      %add3A_268 = arith.addi %add3A_267, %get3A_264 : vector<16xi32>
      %mul3A_269 = arith.constant 224 : i32
      %mul3A_270 = vector.broadcast %mul3A_269 : i32 to vector<16xi32>
      %mul3A_271 = arith.muli %add3A_268, %mul3A_270 : vector<16xi32>
      %add3A_272 = arith.addi %mul3A_271, %get3A_259 : vector<16xi32>
      %swap3A_273 = arith.constant 128 : index
      %swap3A_274 = tpu.vector_load %arg7[%swap3A_273] {strides = array<i32>} : memref<200xi32, #tpu.memory_space<vmem>>, vector<16xi32>,
      %swap3A_275 = vector.shape_cast %swap3A_274 : vector<16xi32> to vector<16xi32>
      %swap3A_276 = vector.shape_cast %add3A_272 : vector<16xi32> to vector<16xi32>
      tpu.vector_store %arg7[%swap3A_273], %swap3A_276 {strides = array<i32>} : memref<200xi32, #tpu.memory_space<vmem>>, vector<16xi32>,
      %get3A_277 = arith.constant 0 : i32
      %get3A_278 = arith.index_cast %get3A_277 : i32 to index
      %get3A_279 = arith.constant 144 : index
      %get3A_280 = tpu.vector_load %arg6[%get3A_278, %get3A_279] {strides = array<i32>} : memref<2x200xi32, #tpu.memory_space<vmem>>, vector<1x16xi32>,
      %get3A_281 = vector.shape_cast %get3A_280 : vector<1x16xi32> to vector<16xi32>
      %get3A_282 = arith.constant 1 : i32
      %get3A_283 = arith.index_cast %get3A_282 : i32 to index
      %get3A_284 = arith.constant 144 : index
      %get3A_285 = tpu.vector_load %arg6[%get3A_283, %get3A_284] {strides = array<i32>} : memref<2x200xi32, #tpu.memory_space<vmem>>, vector<1x16xi32>,
      %get3A_286 = vector.shape_cast %get3A_285 : vector<1x16xi32> to vector<16xi32>
      %mul3A_287 = arith.constant 224 : i32
      %mul3A_288 = arith.muli %select_n3A_54, %mul3A_287 : i32
      %add3A_289 = vector.broadcast %mul3A_288 : i32 to vector<16xi32>
      %add3A_290 = arith.addi %add3A_289, %get3A_286 : vector<16xi32>
      %mul3A_291 = arith.constant 224 : i32
      %mul3A_292 = vector.broadcast %mul3A_291 : i32 to vector<16xi32>
      %mul3A_293 = arith.muli %add3A_290, %mul3A_292 : vector<16xi32>
      %add3A_294 = arith.addi %mul3A_293, %get3A_281 : vector<16xi32>
      %swap3A_295 = arith.constant 144 : index
      %swap3A_296 = tpu.vector_load %arg7[%swap3A_295] {strides = array<i32>} : memref<200xi32, #tpu.memory_space<vmem>>, vector<16xi32>,
      %swap3A_297 = vector.shape_cast %swap3A_296 : vector<16xi32> to vector<16xi32>
      %swap3A_298 = vector.shape_cast %add3A_294 : vector<16xi32> to vector<16xi32>
      tpu.vector_store %arg7[%swap3A_295], %swap3A_298 {strides = array<i32>} : memref<200xi32, #tpu.memory_space<vmem>>, vector<16xi32>,
      %get3A_299 = arith.constant 0 : i32
      %get3A_300 = arith.index_cast %get3A_299 : i32 to index
      %get3A_301 = arith.constant 160 : index
      %get3A_302 = tpu.vector_load %arg6[%get3A_300, %get3A_301] {strides = array<i32>} : memref<2x200xi32, #tpu.memory_space<vmem>>, vector<1x16xi32>,
      %get3A_303 = vector.shape_cast %get3A_302 : vector<1x16xi32> to vector<16xi32>
      %get3A_304 = arith.constant 1 : i32
      %get3A_305 = arith.index_cast %get3A_304 : i32 to index
      %get3A_306 = arith.constant 160 : index
      %get3A_307 = tpu.vector_load %arg6[%get3A_305, %get3A_306] {strides = array<i32>} : memref<2x200xi32, #tpu.memory_space<vmem>>, vector<1x16xi32>,
      %get3A_308 = vector.shape_cast %get3A_307 : vector<1x16xi32> to vector<16xi32>
      %mul3A_309 = arith.constant 224 : i32
      %mul3A_310 = arith.muli %select_n3A_54, %mul3A_309 : i32
      %add3A_311 = vector.broadcast %mul3A_310 : i32 to vector<16xi32>
      %add3A_312 = arith.addi %add3A_311, %get3A_308 : vector<16xi32>
      %mul3A_313 = arith.constant 224 : i32
      %mul3A_314 = vector.broadcast %mul3A_313 : i32 to vector<16xi32>
      %mul3A_315 = arith.muli %add3A_312, %mul3A_314 : vector<16xi32>
      %add3A_316 = arith.addi %mul3A_315, %get3A_303 : vector<16xi32>
      %swap3A_317 = arith.constant 160 : index
      %swap3A_318 = tpu.vector_load %arg7[%swap3A_317] {strides = array<i32>} : memref<200xi32, #tpu.memory_space<vmem>>, vector<16xi32>,
      %swap3A_319 = vector.shape_cast %swap3A_318 : vector<16xi32> to vector<16xi32>
      %swap3A_320 = vector.shape_cast %add3A_316 : vector<16xi32> to vector<16xi32>
      tpu.vector_store %arg7[%swap3A_317], %swap3A_320 {strides = array<i32>} : memref<200xi32, #tpu.memory_space<vmem>>, vector<16xi32>,
      %get3A_321 = arith.constant 0 : i32
      %get3A_322 = arith.index_cast %get3A_321 : i32 to index
      %get3A_323 = arith.constant 176 : index
      %get3A_324 = tpu.vector_load %arg6[%get3A_322, %get3A_323] {strides = array<i32>} : memref<2x200xi32, #tpu.memory_space<vmem>>, vector<1x16xi32>,
      %get3A_325 = vector.shape_cast %get3A_324 : vector<1x16xi32> to vector<16xi32>
      %get3A_326 = arith.constant 1 : i32
      %get3A_327 = arith.index_cast %get3A_326 : i32 to index
      %get3A_328 = arith.constant 176 : index
      %get3A_329 = tpu.vector_load %arg6[%get3A_327, %get3A_328] {strides = array<i32>} : memref<2x200xi32, #tpu.memory_space<vmem>>, vector<1x16xi32>,
      %get3A_330 = vector.shape_cast %get3A_329 : vector<1x16xi32> to vector<16xi32>
      %mul3A_331 = arith.constant 224 : i32
      %mul3A_332 = arith.muli %select_n3A_54, %mul3A_331 : i32
      %add3A_333 = vector.broadcast %mul3A_332 : i32 to vector<16xi32>
      %add3A_334 = arith.addi %add3A_333, %get3A_330 : vector<16xi32>
      %mul3A_335 = arith.constant 224 : i32
      %mul3A_336 = vector.broadcast %mul3A_335 : i32 to vector<16xi32>
      %mul3A_337 = arith.muli %add3A_334, %mul3A_336 : vector<16xi32>
      %add3A_338 = arith.addi %mul3A_337, %get3A_325 : vector<16xi32>
      %swap3A_339 = arith.constant 176 : index
      %swap3A_340 = tpu.vector_load %arg7[%swap3A_339] {strides = array<i32>} : memref<200xi32, #tpu.memory_space<vmem>>, vector<16xi32>,
      %swap3A_341 = vector.shape_cast %swap3A_340 : vector<16xi32> to vector<16xi32>
      %swap3A_342 = vector.shape_cast %add3A_338 : vector<16xi32> to vector<16xi32>
      tpu.vector_store %arg7[%swap3A_339], %swap3A_342 {strides = array<i32>} : memref<200xi32, #tpu.memory_space<vmem>>, vector<16xi32>,
      %get3A_343 = arith.constant 0 : i32
      %get3A_344 = arith.index_cast %get3A_343 : i32 to index
      %get3A_345 = arith.constant 184 : index
      %get3A_346 = tpu.vector_load %arg6[%get3A_344, %get3A_345] {strides = array<i32>} : memref<2x200xi32, #tpu.memory_space<vmem>>, vector<1x16xi32>,
      %get3A_347 = vector.shape_cast %get3A_346 : vector<1x16xi32> to vector<16xi32>
      %get3A_348 = arith.constant 1 : i32
      %get3A_349 = arith.index_cast %get3A_348 : i32 to index
      %get3A_350 = arith.constant 184 : index
      %get3A_351 = tpu.vector_load %arg6[%get3A_349, %get3A_350] {strides = array<i32>} : memref<2x200xi32, #tpu.memory_space<vmem>>, vector<1x16xi32>,
      %get3A_352 = vector.shape_cast %get3A_351 : vector<1x16xi32> to vector<16xi32>
      %mul3A_353 = arith.constant 224 : i32
      %mul3A_354 = arith.muli %select_n3A_54, %mul3A_353 : i32
      %add3A_355 = vector.broadcast %mul3A_354 : i32 to vector<16xi32>
      %add3A_356 = arith.addi %add3A_355, %get3A_352 : vector<16xi32>
      %mul3A_357 = arith.constant 224 : i32
      %mul3A_358 = vector.broadcast %mul3A_357 : i32 to vector<16xi32>
      %mul3A_359 = arith.muli %add3A_356, %mul3A_358 : vector<16xi32>
      %add3A_360 = arith.addi %mul3A_359, %get3A_347 : vector<16xi32>
      %swap3A_361 = arith.constant 184 : index
      %swap3A_362 = tpu.vector_load %arg7[%swap3A_361] {strides = array<i32>} : memref<200xi32, #tpu.memory_space<vmem>>, vector<16xi32>,
      %swap3A_363 = vector.shape_cast %swap3A_362 : vector<16xi32> to vector<16xi32>
      %swap3A_364 = vector.shape_cast %add3A_360 : vector<16xi32> to vector<16xi32>
      tpu.vector_store %arg7[%swap3A_361], %swap3A_364 {strides = array<i32>} : memref<200xi32, #tpu.memory_space<vmem>>, vector<16xi32>,
      %dma_start3A = arith.constant 0 : i32
      %dma_start3A_365 = arith.constant 0 : i32
      %dma_start3A_366 = tpu.memref_slice %arg8[%dma_start3A, %dma_start3A_365] : memref<104x384xf32, #tpu.memory_space<vmem>> -> memref<56x384xf32, #tpu.memory_space<vmem>>
      %dma_start3A_367 = tpu.memref_slice %arg7[%mul3A_72] : memref<200xi32, #tpu.memory_space<vmem>> -> memref<56xi32, #tpu.memory_space<vmem>>
      %dma_start3A_368 = arith.constant 0 : i32
      %dma_start3A_369 = arith.constant 0 : i32
      %dma_start3A_370 = tpu.memref_slice %arg2[%dma_start3A_368, %dma_start3A_369] : memref<401408x384xf32, #tpu.memory_space<hbm>> -> memref<401408x384xf32, #tpu.memory_space<hbm>>
      tpu.enqueue_indirect_dma source(%dma_start3A_370 : memref<401408x384xf32, #tpu.memory_space<hbm>>) target(%dma_start3A_366 : memref<56x384xf32, #tpu.memory_space<vmem>>) offsets(%dma_start3A_367 : memref<56xi32, #tpu.memory_space<vmem>>) semaphore(%arg9 : memref<!tpu.dma_semaphore, #tpu.memory_space<semaphore_mem>>)
      %add3A_371 = arith.constant 56 : i32
      %add3A_372 = arith.addi %mul3A_72, %add3A_371 : i32
      %dma_start3A_373 = arith.constant 56 : i32
      %dma_start3A_374 = arith.constant 0 : i32
      %dma_start3A_375 = tpu.memref_slice %arg8[%dma_start3A_373, %dma_start3A_374] : memref<104x384xf32, #tpu.memory_space<vmem>> -> memref<48x384xf32, #tpu.memory_space<vmem>>
      %dma_start3A_376 = tpu.memref_slice %arg7[%add3A_372] : memref<200xi32, #tpu.memory_space<vmem>> -> memref<48xi32, #tpu.memory_space<vmem>>
      %dma_start3A_377 = arith.constant 0 : i32
      %dma_start3A_378 = arith.constant 0 : i32
      %dma_start3A_379 = tpu.memref_slice %arg2[%dma_start3A_377, %dma_start3A_378] : memref<401408x384xf32, #tpu.memory_space<hbm>> -> memref<401408x384xf32, #tpu.memory_space<hbm>>
      tpu.enqueue_indirect_dma source(%dma_start3A_379 : memref<401408x384xf32, #tpu.memory_space<hbm>>) target(%dma_start3A_375 : memref<48x384xf32, #tpu.memory_space<vmem>>) offsets(%dma_start3A_376 : memref<48xi32, #tpu.memory_space<vmem>>) semaphore(%arg10 : memref<!tpu.dma_semaphore, #tpu.memory_space<semaphore_mem>>)
      %mul3A_380 = arith.constant 1600 : i32
      %mul3A_381 = arith.muli %select_n3A_40, %mul3A_380 : i32
      %mul3A_382 = arith.constant 200 : i32
      %mul3A_383 = arith.muli %select_n3A_54, %mul3A_382 : i32
      %add3A_384 = arith.addi %mul3A_381, %mul3A_383 : i32
      %add3A_385 = arith.addi %add3A_384, %mul3A_72 : i32
      %dma_wait3A = arith.constant 0 : i32
      %dma_wait3A_386 = arith.constant 0 : i32
      %dma_wait3A_387 = tpu.memref_slice %arg8[%dma_wait3A, %dma_wait3A_386] : memref<104x384xf32, #tpu.memory_space<vmem>> -> memref<56x384xf32, #tpu.memory_space<vmem>>
      %dma_wait3A_388 = tpu.memref_slice %arg7[%mul3A_72] : memref<200xi32, #tpu.memory_space<vmem>> -> memref<56xi32, #tpu.memory_space<vmem>>
      %dma_wait3A_389 = arith.constant 0 : i32
      %dma_wait3A_390 = arith.constant 0 : i32
      %dma_wait3A_391 = tpu.memref_slice %arg2[%dma_wait3A_389, %dma_wait3A_390] : memref<401408x384xf32, #tpu.memory_space<hbm>> -> memref<401408x384xf32, #tpu.memory_space<hbm>>
      tpu.wait_indirect_dma semaphore(%arg9 : memref<!tpu.dma_semaphore, #tpu.memory_space<semaphore_mem>>) src(%dma_wait3A_391 : memref<401408x384xf32, #tpu.memory_space<hbm>>) dst(%dma_wait3A_387 : memref<56x384xf32, #tpu.memory_space<vmem>>)
      "tpu.region"() ({
        %run_scoped3A = tpu.sem_alloc : memref<!tpu.dma_semaphore, #tpu.memory_space<semaphore_mem>>
        %dma_start3A_401 = arith.constant 0 : i32
        %dma_start3A_402 = arith.constant 0 : i32
        %dma_start3A_403 = tpu.memref_slice %arg8[%dma_start3A_401, %dma_start3A_402] : memref<104x384xf32, #tpu.memory_space<vmem>> -> memref<56x384xf32, #tpu.memory_space<vmem>>
        %dma_start3A_404 = arith.constant 0 : i32
        %dma_start3A_405 = tpu.memref_slice %arg5[%add3A_385, %dma_start3A_404] : memref<3200x384xf32, #tpu.memory_space<hbm>> -> memref<56x384xf32, #tpu.memory_space<hbm>>
        %dma_start3A_406 = arith.constant 0 : i32
        %dma_start3A_407 = tpu.memref_slice %arg5[%add3A_385, %dma_start3A_406] : memref<3200x384xf32, #tpu.memory_space<hbm>> -> memref<56x384xf32, #tpu.memory_space<hbm>>
        %dma_start3A_408 = arith.constant 0 : i32
        %dma_start3A_409 = arith.constant 0 : i32
        %dma_start3A_410 = tpu.memref_slice %arg8[%dma_start3A_408, %dma_start3A_409] : memref<104x384xf32, #tpu.memory_space<vmem>> -> memref<56x384xf32, #tpu.memory_space<vmem>>
        tpu.enqueue_dma source(%dma_start3A_410 : memref<56x384xf32, #tpu.memory_space<vmem>>) target(%dma_start3A_407 : memref<56x384xf32, #tpu.memory_space<hbm>>) target_semaphore(%run_scoped3A : memref<!tpu.dma_semaphore, #tpu.memory_space<semaphore_mem>>)
        %dma_wait3A_411 = arith.constant 0 : i32
        %dma_wait3A_412 = arith.constant 0 : i32
        %dma_wait3A_413 = tpu.memref_slice %arg8[%dma_wait3A_411, %dma_wait3A_412] : memref<104x384xf32, #tpu.memory_space<vmem>> -> memref<56x384xf32, #tpu.memory_space<vmem>>
        %dma_wait3A_414 = arith.constant 0 : i32
        %dma_wait3A_415 = tpu.memref_slice %arg5[%add3A_385, %dma_wait3A_414] : memref<3200x384xf32, #tpu.memory_space<hbm>> -> memref<56x384xf32, #tpu.memory_space<hbm>>
        %dma_wait3A_416 = arith.constant 0 : i32
        %dma_wait3A_417 = tpu.memref_slice %arg5[%add3A_385, %dma_wait3A_416] : memref<3200x384xf32, #tpu.memory_space<hbm>> -> memref<56x384xf32, #tpu.memory_space<hbm>>
        %dma_wait3A_418 = arith.constant 0 : i32
        %dma_wait3A_419 = arith.constant 0 : i32
        %dma_wait3A_420 = tpu.memref_slice %arg8[%dma_wait3A_418, %dma_wait3A_419] : memref<104x384xf32, #tpu.memory_space<vmem>> -> memref<56x384xf32, #tpu.memory_space<vmem>>
        tpu.wait_dma2 semaphore(%run_scoped3A : memref<!tpu.dma_semaphore, #tpu.memory_space<semaphore_mem>>) src(%dma_wait3A_420 : memref<56x384xf32, #tpu.memory_space<vmem>>) dst(%dma_wait3A_417 : memref<56x384xf32, #tpu.memory_space<hbm>>)
        tpu.yield
      }) : () -> ()
      %dma_wait3A_392 = arith.constant 56 : i32
      %dma_wait3A_393 = arith.constant 0 : i32
      %dma_wait3A_394 = tpu.memref_slice %arg8[%dma_wait3A_392, %dma_wait3A_393] : memref<104x384xf32, #tpu.memory_space<vmem>> -> memref<48x384xf32, #tpu.memory_space<vmem>>
      %dma_wait3A_395 = tpu.memref_slice %arg7[%add3A_372] : memref<200xi32, #tpu.memory_space<vmem>> -> memref<48xi32, #tpu.memory_space<vmem>>
      %dma_wait3A_396 = arith.constant 0 : i32
      %dma_wait3A_397 = arith.constant 0 : i32
      %dma_wait3A_398 = tpu.memref_slice %arg2[%dma_wait3A_396, %dma_wait3A_397] : memref<401408x384xf32, #tpu.memory_space<hbm>> -> memref<401408x384xf32, #tpu.memory_space<hbm>>
      tpu.wait_indirect_dma semaphore(%arg10 : memref<!tpu.dma_semaphore, #tpu.memory_space<semaphore_mem>>) src(%dma_wait3A_398 : memref<401408x384xf32, #tpu.memory_space<hbm>>) dst(%dma_wait3A_394 : memref<48x384xf32, #tpu.memory_space<vmem>>)
      %add3A_399 = arith.constant 56 : i32
      %add3A_400 = arith.addi %add3A_385, %add3A_399 : i32
      "tpu.region"() ({
        %run_scoped3A = tpu.sem_alloc : memref<!tpu.dma_semaphore, #tpu.memory_space<semaphore_mem>>
        %dma_start3A_401 = arith.constant 56 : i32
        %dma_start3A_402 = arith.constant 0 : i32
        %dma_start3A_403 = tpu.memref_slice %arg8[%dma_start3A_401, %dma_start3A_402] : memref<104x384xf32, #tpu.memory_space<vmem>> -> memref<48x384xf32, #tpu.memory_space<vmem>>
        %dma_start3A_404 = arith.constant 0 : i32
        %dma_start3A_405 = tpu.memref_slice %arg5[%add3A_400, %dma_start3A_404] : memref<3200x384xf32, #tpu.memory_space<hbm>> -> memref<48x384xf32, #tpu.memory_space<hbm>>
        %dma_start3A_406 = arith.constant 0 : i32
        %dma_start3A_407 = tpu.memref_slice %arg5[%add3A_400, %dma_start3A_406] : memref<3200x384xf32, #tpu.memory_space<hbm>> -> memref<48x384xf32, #tpu.memory_space<hbm>>
        %dma_start3A_408 = arith.constant 56 : i32
        %dma_start3A_409 = arith.constant 0 : i32
        %dma_start3A_410 = tpu.memref_slice %arg8[%dma_start3A_408, %dma_start3A_409] : memref<104x384xf32, #tpu.memory_space<vmem>> -> memref<48x384xf32, #tpu.memory_space<vmem>>
        tpu.enqueue_dma source(%dma_start3A_410 : memref<48x384xf32, #tpu.memory_space<vmem>>) target(%dma_start3A_407 : memref<48x384xf32, #tpu.memory_space<hbm>>) target_semaphore(%run_scoped3A : memref<!tpu.dma_semaphore, #tpu.memory_space<semaphore_mem>>)
        %dma_wait3A_411 = arith.constant 56 : i32
        %dma_wait3A_412 = arith.constant 0 : i32
        %dma_wait3A_413 = tpu.memref_slice %arg8[%dma_wait3A_411, %dma_wait3A_412] : memref<104x384xf32, #tpu.memory_space<vmem>> -> memref<48x384xf32, #tpu.memory_space<vmem>>
        %dma_wait3A_414 = arith.constant 0 : i32
        %dma_wait3A_415 = tpu.memref_slice %arg5[%add3A_400, %dma_wait3A_414] : memref<3200x384xf32, #tpu.memory_space<hbm>> -> memref<48x384xf32, #tpu.memory_space<hbm>>
        %dma_wait3A_416 = arith.constant 0 : i32
        %dma_wait3A_417 = tpu.memref_slice %arg5[%add3A_400, %dma_wait3A_416] : memref<3200x384xf32, #tpu.memory_space<hbm>> -> memref<48x384xf32, #tpu.memory_space<hbm>>
        %dma_wait3A_418 = arith.constant 56 : i32
        %dma_wait3A_419 = arith.constant 0 : i32
        %dma_wait3A_420 = tpu.memref_slice %arg8[%dma_wait3A_418, %dma_wait3A_419] : memref<104x384xf32, #tpu.memory_space<vmem>> -> memref<48x384xf32, #tpu.memory_space<vmem>>
        tpu.wait_dma2 semaphore(%run_scoped3A : memref<!tpu.dma_semaphore, #tpu.memory_space<semaphore_mem>>) src(%dma_wait3A_420 : memref<48x384xf32, #tpu.memory_space<vmem>>) dst(%dma_wait3A_417 : memref<48x384xf32, #tpu.memory_space<hbm>>)
        tpu.yield
      }) : () -> ()
    } else {
    }
    return
  }
}

</mosaic_0001>

<sc_bundles>
// kernel: _crop_gather.3.cloned.1.call-start
scs
__scs_entry_jumppad:
0x0: {  	(pc) =	sbr.rel $0x88, $3  }
0x1: {  	(tag) =	ssettag $0x0;
	lr =	simm.s32 $0x1  }
0x2: {  	[smem:$0x3F9E] =	sst lr;
	_ =	strace $0xD0000000  }
0x3: {  	_ = 	snop  }
0x4: {  	_ = 	snop  }
0x5: {  	_ = 	snop  }
0x6: {  	_ = 	snop  }
0x7: {  	_ = 	snop  }
__scs_overlays_trampoline_lowered:
0x8: {  	[smem:$0x3FAD] =	sst s0  }
0x9: {  	[smem:$0x3FAE] =	sst s1  }
0xa: {  	[smem:$0x3FAF] =	sst s2  }
0xb: {  	[smem:$0x3FB0] =	sst s3  }
0xc: {  	[smem:$0x3FB1] =	sst s4  }
0xd: {  	[smem:$0x3FB2] =	sst s5  }
0xe: {  	[smem:$0x3FB3] =	sst s6  }
0xf: {  	[smem:$0x3FB4] =	sst s7  }
0x10: {  	[smem:$0x3FB5] =	sst s8  }
0x11: {  	[smem:$0x3FB6] =	sst s9;
	s0 =	simm.s32 @!p0 $0x0  }
0x12: {  	s1 =	sld [smem:$0x3F9C];
	s0 =	simm.s32 @p0 $0x1  }
0x13: {  	[smem:$0x3FB7] =	sst s0;
	s0 =	simm.s32 @!p1 $0x0  }
0x14: {  	s2 =	sld [smem:$0x3F9B];
	s0 =	simm.s32 @p1 $0x1  }
0x15: {  	[smem:$0x3FB8] =	sst s0;
	s0 =	simm.s32 @!p2 $0x0  }
0x16: {  	s3 =	sld [smem:$0x3FDB];
	s0 =	simm.s32 @p2 $0x1  }
0x17: {  	s4 =	simm.s32 $0x1BF5;
	[smem:$0x3FBA] =	sst s0  }
0x18: {  	s0 =	sld [smem:$0x3F9D];
	_ =	swait.ge [sflag:s4], $0x0  }
0x19: {  	s7 =	sld [smem:$0x3F9E]  }
0x1a: {  	s8 =	sadd.s32 $0xFFFFE003, lr  }
0x1b: {  	s9 =	sadd.s32 $0xFFFFFEF7, lr;
	s5 =	simm.s32 $0xFFFFFFFF;
	p2 =	slt.u32 s8, $0xFFFFF086  }
0x1c: {  	p1 =	slt.u32 s9, $0xF7A;
	s5 =	simm.s32 @!p2 $0x0  }
0x1d: {  	s5 =	simm.s32 @p1 $0x1;
	p0 =	seq.s32 s7, s2  }
0x1e: {  	s7 =	smul.u32 @!p0 $0xF7A, s2;
	p2 =	seq.s32 @!p0 s5, $0x0  }
0x1f: {  	s9 =	smul.u32 $0xF7A, s1;
	s8 =	simm.s32 @!p0 $0x1BF5;
	p2 =	por !p2, p0  }
0x20: {  	[sflag:s8] =	ssyncset.s32 @!p0 $0xFFFFF086;
	s6 =	sadd.s32 @!p0 s3, s7;
	s7 =	simm.s32 @!p0 $0x108  }
0x21: {  	s3 =	sadd.s32 s3, s9;
	s6 =	sadd.s32 @!p0 $0x88, s6;
	s7 =	simm.s32 @p2 $0x1082  }
0x22: {  	[simem:s7], [sflag:s8] =	dma.local @!p0 [hbm:s6], $0xF7A  }
0x23: {  	s9 =	sor.u32 $0xD0000000, s2;
	s6 =	simm.s32 $0x108;
	_ =	swait.ge @!p0 [sflag:s8], $0x0  }
0x24: {  	s3 =	sadd.s32 $0x88, s3;
	s6 =	simm.s32 @!p1 $0x1082;
	[sflag:s4] =	ssyncset.s32 $0xFFFFF086  }
0x25: {  	[simem:s6], [sflag:s4] =	dma.local [hbm:s3], $0xF7A  }
0x26: {  	[smem:$0x3F9E] =	sst s1;
	(tag) =	ssettag s2;
	_ =	strace s9  }
0x27: {  	s1 =	sld [smem:$0x3FAE]  }
0x28: {  	s2 =	sld [smem:$0x3FAF]  }
0x29: {  	s4 =	sld [smem:$0x3FB1]  }
0x2a: {  	p0 =	seq.s32 s5, $0x0;
	s5 =	sld [smem:$0x3FB2]  }
0x2b: {  	s6 =	sld [smem:$0x3FB3]  }
0x2c: {  	s7 =	sld [smem:$0x3FB4]  }
0x2d: {  	s3 =	simm.s32 $0x108;
	s8 =	sld [smem:$0x3FB5]  }
0x2e: {  	s3 =	simm.s32 @!p0 $0x1082;
	s9 =	sld [smem:$0x3FB6]  }
0x2f: {  	lr =	sadd.s32 s0, s3;
	s0 =	sld [smem:$0x3FAD]  }
0x30: {  	s3 =	sld [smem:$0x3FB0]  }
0x31: {  	[smem:$0x3FB9] =	sst s10  }
0x32: {  	s10 =	sld [smem:$0x3FB7];
	_ =	sdelay $0x3  }
0x33: {  	p0 =	seq.s32 s10, $0x1;
	s10 =	sld [smem:$0x3FB9];
	_ =	sdelay $0x3  }
0x34: {  	[smem:$0x3FB9] =	sst s10  }
0x35: {  	s10 =	sld [smem:$0x3FB8];
	_ =	sdelay $0x3  }
0x36: {  	p1 =	seq.s32 s10, $0x1;
	s10 =	sld [smem:$0x3FB9];
	_ =	sdelay $0x3  }
0x37: {  	[smem:$0x3FB9] =	sst s10  }
0x38: {  	s10 =	sld [smem:$0x3FBA]  }
0x39: {  	_ = 	snop;
	(pc) =	sbr.ind lr, $3  }
0x3a: {  	_ = 	snop  }
0x3b: {  	_ = 	snop  }
0x3c: {  	p2 =	seq.s32 s10, $0x1;
	s10 =	sld [smem:$0x3FB9]  }
0x3d: {  	_ =	shalt  }
0x3e: {  	_ =	shalt  }
0x3f: {  	_ =	shalt  }
0x40: {  	_ =	shalt  }
0x41: {  	_ =	shalt  }
0x42: {  	_ =	shalt  }
0x43: {  	_ =	shalt  }
0x44: {  	_ =	shalt  }
0x45: {  	_ =	shalt  }
0x46: {  	_ =	shalt  }
0x47: {  	_ =	shalt  }
0x48: {  	_ =	shalt  }
0x49: {  	_ =	shalt  }
0x4a: {  	_ =	shalt  }
0x4b: {  	_ =	shalt  }
0x4c: {  	_ =	shalt  }
0x4d: {  	_ =	shalt  }
0x4e: {  	_ =	shalt  }
0x4f: {  	_ =	shalt  }
0x50: {  	_ =	shalt  }
0x51: {  	_ =	shalt  }
0x52: {  	_ =	shalt  }
0x53: {  	_ =	shalt  }
0x54: {  	_ =	shalt  }
0x55: {  	_ =	shalt  }
0x56: {  	_ =	shalt  }
0x57: {  	_ =	shalt  }
0x58: {  	_ =	shalt  }
0x59: {  	_ =	shalt  }
0x5a: {  	_ =	shalt  }
0x5b: {  	_ =	shalt  }
0x5c: {  	_ =	shalt  }
0x5d: {  	_ =	shalt  }
0x5e: {  	_ =	shalt  }
0x5f: {  	_ =	shalt  }
0x60: {  	_ =	shalt  }
0x61: {  	_ =	shalt  }
0x62: {  	_ =	shalt  }
0x63: {  	_ =	shalt  }
0x64: {  	_ =	shalt  }
0x65: {  	_ =	shalt  }
0x66: {  	_ =	shalt  }
0x67: {  	_ =	shalt  }
0x68: {  	_ =	shalt  }
0x69: {  	_ =	shalt  }
0x6a: {  	_ =	shalt  }
0x6b: {  	_ =	shalt  }
0x6c: {  	_ =	shalt  }
0x6d: {  	_ =	shalt  }
0x6e: {  	_ =	shalt  }
0x6f: {  	_ =	shalt  }
0x70: {  	_ =	shalt  }
0x71: {  	_ =	shalt  }
0x72: {  	_ =	shalt  }
0x73: {  	_ =	shalt  }
0x74: {  	_ =	shalt  }
0x75: {  	_ =	shalt  }
0x76: {  	_ =	shalt  }
0x77: {  	_ =	shalt  }
0x78: {  	_ =	shalt  }
0x79: {  	_ =	shalt  }
0x7a: {  	_ =	shalt  }
0x7b: {  	_ =	shalt  }
0x7c: {  	_ =	shalt  }
0x7d: {  	_ =	shalt  }
0x7e: {  	_ =	shalt  }
0x7f: {  	_ =	shalt  }
0x80: {  	_ =	shalt  }
0x81: {  	_ =	shalt  }
0x82: {  	_ =	shalt  }
0x83: {  	_ =	shalt  }
0x84: {  	_ =	shalt  }
0x85: {  	_ =	shalt  }
0x86: {  	_ =	shalt  }
0x87: {  	_ =	shalt  }
.Lfunc_end0:
.L_simem_size_0:
called_computation_lowered:
.L_overlay_start_0:
0x88: {  	s2 =	sld [smem:$0x3FD9]  }
0x89: {  	s3 =	sld [smem:$0x3FFE];
	_ =	sdelay $0x1  }
0x8a: {  	s1 =	srdreg.scid  }
0x8b: {  	s0 =	sand.u32 $0x1, s1  }
0x8c: {  	s18 =	sshll.u32 s0, $0xA;
	s2 =	sadd.s32 s3, s2  }
0x8d: {  	s2 =	sadd.s32 s2, s18  }
0x8e: {  	[smem:$0x3FC5] =	sst s2  }
0x8f: {  	_ = 	snop  }
0x90: {  	s2 =	sld [smem:$0x3FC9]  }
0x91: {  	s19 =	sld [smem:$0x3FC8]  }
0x92: {  	s4 =	sld [smem:$0x3FC7]  }
0x93: {  	s5 =	sld [smem:$0x3FD0];
	(tm) =	ssettm $0x1  }
0x94: {  	s6 =	sld [smem:$0x3FFB];
	_ =	sdelay $0x3  }
0x95: {  	_ =	strace s6  }
0x96: {  	s6 =	sld [smem:$0x3FFC];
	_ =	sdelay $0x3  }
0x97: {  	_ =	strace s6  }
0x98: {  	s6 =	sld [smem:$0x3FFD];
	_ =	sdelay $0x3  }
0x99: {  	_ =	strace s6  }
0x9a: {  	_ =	strace $0x8FFFFFFF  }
0x9b: {  	s20 =	sld [smem:$0x3FDB];
	_ =	sdelay $0x1  }
0x9c: {  	s7 =	simm.s32 $_scs_section_size  }
0x9d: {  	s8 =	simm.s32 $_size__tile_overlayer_lowered;
	s9 =	simm.s32 $_tile_overlayer_lowered  }
0x9e: {  	s23 =	simm.s32 $0x1BFF;
	s22 =	sshll.u32 s9, $0x1;
	s6 =	sadd.s32 s7, s20  }
0x9f: {  	s10 =	simm.s32 $0x0;
	s21 =	sshll.u32 s8, $0x1;
	s8 =	sadd.s32 s22, s6  }
0xa0: {  	[timem:s10], [sflag:s23] =	dma.local [hbm:s8], s21  }
0xa1: {  	_ =	swait.ge [sflag:s23], s21  }
0xa2: {  	s7 =	ssub.s32 $0x0, s21;
	[sflag:s23] =	ssyncset.done $0x0  }
0xa3: {  	[sflag:s23] =	ssyncadd.s32 s7;
	_ =	sdelay $0x1  }
0xa4: {  	s24 =	simm.s32 $0x1B8B  }
0xa5: {  	_ =	swait.ge [sflag:s24], $0x1  }
0xa6: {  	[sflag:s24] =	ssyncset.done $0x0  }
0xa7: {  	s25 =	simm.s32 $0x1B8E;
	[sflag:s24] =	ssyncadd.s32 $0xFFFFFFFF  }
0xa8: {  	s26 =	simm.s32 $execute0_lowered;
	[smem:$0x3FD2] =	sst s25  }
0xa9: {  	s7 =	sshll.u32 s26, $0x1;
	_ =	strace $0x80000046;
	[dreg:$0x1] =	wrdreg $0xFFFFFFFF  }
0xaa: {  	s28 =	simm.s32 $_size_execute0_lowered;
	s6 =	sadd.s32 s6, s7;
	[dreg:$0x0] =	wrdreg $0x0  }
0xab: {  	s7 =	sshll.u32 s28, $0x1;
	[dreg:$0x2] =	wrdreg s6  }
0xac: {  	[dreg:$0x3] =	wrdreg s7  }
0xad: {  	[dreg:$0x4] =	wrdreg $0xC0  }
0xae: {  	_ =	task [dreg:s10], $0x5FFFF  }
0xaf: {  	[dreg:$0x1] =	wrdreg $0xFFFFFFFF  }
0xb0: {  	[dreg:$0x0] =	wrdreg $0x60  }
0xb1: {  	[dreg:$0x2] =	wrdreg s2  }
0xb2: {  	[dreg:$0x3] =	wrdreg s19  }
0xb3: {  	[dreg:$0x4] =	wrdreg s4  }
0xb4: {  	[dreg:$0x5] =	wrdreg s5  }
0xb5: {  	[dreg:$0x6] =	wrdreg $0x9  }
0xb6: {  	_ =	task.clear_ibuf [dreg:s10], $0x7FFFF;
	_ =	strace $0x90000046  }
0xb7: {  	s29 =	simm.s32 $0x9;
	_ =	strace $0x80000048  }
0xb8: {  	_ =	swait.ge [sflag:s29], $0x1  }
0xb9: {  	[sflag:s29] =	ssyncadd.s32 $0xFFFFFFFF  }
0xba: {  	_ =	strace $0x90000048  }
0xbb: {  	_ =	sfence  }
0xbc: {  	s30 =	sld [smem:$0x0];
	_ =	sdelay $0x2  }
0xbd: {  	s31 =	sshll.u32 s1, $0xD;
	s1 =	sshrl.u32 s1, $0x2  }
0xbe: {  	s3 =	sand.u32 $0x4000, s31;
	s1 =	sadd.s32 s1, s30  }
0xbf: {  	s0 =	sor.u32 s3, s0;
	s1 =	sshll.u32 s1, $0x11  }
0xc0: {  	s0 =	sor.u32 s1, s0  }
0xc1: {  	s0 =	sadd.s32 $0x8F2B, s0  }
0xc2: {  	[sflag:s0] =	ssyncadd.remote.s32 $0x1  }
0xc3: {  	_ =	sfence.sel $0xFFFF  }
0xc4: {  	[dreg:$0x0] =	wrdreg $0xFFFFFFFF;
	(pc) =	sbr.abs _section_cstart, $3  }
0xc5: {  	[dreg:$0x1] =	wrdreg $0xFFFFFFFF  }
0xc6: {  	_ =	task.clear_ibuf [dreg:s10], $0x2FFFF;
	_ =	strace $0x9FFFFFFF  }
0xc7: {  	(tm) =	ssettm $0x7FFFFFFF  }
tec
execute0_lowered:
.L_overlay_start_1:
0x0: {  	(tag) =	ssettag $0x1  }
0x1: {  	s0 =	srdreg.scid;
	s24 =	rddreg [dreg:$0x1]  }
0x2: {  	s3 =	stileid.u32;
	s2 =	simm.s32 $0x1;
	s5 =	rddreg [dreg:$0x3]  }
0x3: {  	s6 =	simm.s32 $0x0;
	s7 =	simm.s32 $0x60;
	s0 =	sand.u32 $0x1, s0  }
0x4: {  	s8 =	simm.s32 $0x1;
	s14 =	simm.s32 $0x3;
	s1 =	sor.u32 s0, s3  }
0x5: {  	s15 =	simm.s32 $0x300;
	p0 =	seq.s32 s0, $0x1;
	p1 =	seq.s32 s1, $0x0  }
0x6: {  	s28 =	simm.s32 $0x4B00;
	s29 =	simm.s32 $0x5300;
	p1 =	por !p1, !p0  }
0x7: {  	s30 =	simm.s32 $0x5700;
	s31 =	simm.s32 $0x5F00;
	p1 =	por !p1, !p1  }
0x8: {  	s16 =	simm.s32 $0x7700;
	s17 =	simm.s32 $0x7B00;
	s2 =	simm.s32 @!p1 $0x0  }
0x9: {  	s18 =	simm.s32 $0x8300;
	s19 =	simm.s32 $0x8700;
	s2 =	ssub.s32 s3, s2  }
0xa: {  	s20 =	simm.s32 $0x8F00;
	s21 =	simm.s32 $0x9300;
	s3 =	sand.u32 $0xE0, s2  }
0xb: {  	s22 =	simm.s32 $0x9B00;
	s23 =	simm.s32 $0x2;
	s3 =	sshrl.u32 s3, $0x5  }
0xc: {  	[smem:$0x7FF] =	sst s6;
	s0 =	ssub.s32 $0x2, s0;
	s3 =	sadd.s32 s3, s2  }
0xd: {  	s1 =	rddreg [dreg:$0x0];
	_ =	strace $0x80000047;
	s4 =	sand.u32 $0xFFFFFFF8, s3  }
0xe: {  	s25 =	sshrl.u32 s0, $0x1;
	s7 =	simm.s32 @!p0 $0x0;
	s4 =	ssub.s32 s2, s4  }
0xf: {  	s0 =	ssub.s32 s0, s25;
	p6 =	slt.s32 s2, $0x1;
	p2 =	sne.s32 s4, $0x0  }
0x10: {  	s3 =	sshra.s32 s3, $0x3;
	s4 =	sand.u32 $0x7, s4;
	p1 =	por !p6, !p2  }
0x11: {  	v0 =	vimm.s32 $0xFEDCBA98;
	s2 =	simm.s32 $0x1;
	s26 =	smul.u32 $0xC8, s4;
	p1 =	por !p1, !p1  }
0x12: {  	v1 =	vimm.s32 $0x76543210;
	v0 =	vunpack.c.l.s4.s8 v0;
	s9 =	sshll.u32 s4, $0x6;
	s4 =	smul.u32 $0xE0, s4;
	s2 =	simm.s32 @!p1 $0x0  }
.Ltmp0:
0x13: {  	v1 =	vunpack.c.l.s4.s8 v1;
	s11 =	sadd.s32 $0x100, s1;
	s2 =	ssub.s32 s3, s2;
	(pc) =	sbr.rel .LBB2_1-.Ltmp0, $4  }
0x14: {  	vm0 =	vmmov $0xff;
	v4 =	vlaneseq.u32;
	v2 =	vunpack.c.0.s8.s32 v0;
	s25 =	simm.s32 $0x3F00;
	s13 =	smax.u32 s0, $0x1;
	s10 =	smul.u32 $0x640, s2  }
0x15: {  	vm1 =	vmmov $0xffff;
	v3 =	vshrl.u32 v4, $0x3;
	v1 =	vunpack.c.0.s8.s32 v1;
	s0 =	simm.s32 $0x6B00;
	s12 =	sadd.s32 s7, s26;
	s26 =	simm.s32 $0x4700  }
0x16: {  	v3 =	vmul.u32 $0x8, v3;
	v2 =	vand.u32 $0xF, v2;
	v0 =	vmov s4;
	s4 =	simm.s32 $0x6F00;
	p0 =	seq.s32 s2, $0x0;
	s3 =	sadd.s32 s10, s12  }
0x17: {  	v1 =	vcombine.low v2, v1;
	v2 =	vand.u32 $0x7, v4;
	v4 =	vor.u32 $0x8, v4;
	p1 =	sne.s32 s2, $0x1;
	s2 =	simm.s32 $0x6300;
	[dreg:$0x5] =	wrdreg s3  }
.LBB2_4:
0x18: {  	s3 =	sadd.s32 s3, s9  }
0x19: {  	[tilespmem:s6], [sflag:$0x3] =	stream.linear.gather [hbm4b:s3+s6], $0x200, $0x38;
	[tilespmem:$0x9F00] =	vst v63  }
0x1a: {  	_ =	swait.ge [sflag:s14], $0x200  }
0x1b: {  	[sflag:s14] =	ssyncset.done $0x0  }
0x1c: {  	[sflag:s14] =	ssyncadd.s32 $0xFFFFFE00  }
0x1d: {  	v5 =	vld [tilespmem:$0x0]  }
0x1e: {  	v6 =	vld [tilespmem:$0x80]  }
0x1f: {  	v7 =	vld [tilespmem:$0x10]  }
0x20: {  	v8 =	vld [tilespmem:$0x90]  }
0x21: {  	v9 =	vld [tilespmem:$0x20]  }
0x22: {  	v10 =	vld [tilespmem:$0xA0]  }
0x23: {  	v11 =	vld [tilespmem:$0x30]  }
0x24: {  	v12 =	vld [tilespmem:$0xB0]  }
0x25: {  	v13 =	vld [tilespmem:$0x40]  }
0x26: {  	v14 =	vld [tilespmem:$0xC0]  }
0x27: {  	v15 =	vld [tilespmem:$0x50]  }
0x28: {  	v16 =	vld [tilespmem:$0xD0]  }
0x29: {  	v17 =	vld [tilespmem:$0x60];
	v6 =	vadd.s32 v0, v6  }
0x2a: {  	v18 =	vld [tilespmem:$0xE0];
	v8 =	vadd.s32 v0, v8;
	v6 =	vmul.u32 $0xE0, v6  }
0x2b: {  	v19 =	vld [tilespmem:$0xF0];
	v10 =	vadd.s32 v0, v10;
	v8 =	vmul.u32 $0xE0, v8  }
0x2c: {  	v45 =	vld [tilespmem:$0x180];
	v44 =	vadd.s32 v0, v12;
	v5 =	vadd.s32 v5, v6;
	v6 =	vmul.u32 $0xE0, v10  }
0x2d: {  	v47 =	vld [tilespmem:$0x190];
	v46 =	vadd.s32 v0, v14;
	[tilespmem:$0x200] =	vst v5;
	v5 =	vadd.s32 v7, v8;
	v7 =	vmul.u32 $0xE0, v44  }
0x2e: {  	v49 =	vld [tilespmem:$0x70];
	v48 =	vadd.s32 v0, v16;
	[tilespmem:$0x210] =	vst v5;
	v5 =	vadd.s32 v9, v6;
	v6 =	vmul.u32 $0xE0, v46  }
0x2f: {  	v51 =	vld [tilespmem:$0x100];
	v50 =	vadd.s32 v0, v18;
	[tilespmem:$0x220] =	vst v5;
	v5 =	vadd.s32 v11, v7;
	v7 =	vmul.u32 $0xE0, v48  }
0x30: {  	v53 =	vld [tilespmem:$0x110];
	v52 =	vadd.s32 v0, v19;
	[tilespmem:$0x230] =	vst v5;
	v5 =	vadd.s32 v13, v6;
	v6 =	vmul.u32 $0xE0, v50  }
0x31: {  	v54 =	vadd.s32 v0, v45;
	[tilespmem:$0x240] =	vst v5;
	v5 =	vadd.s32 v15, v7;
	v7 =	vmul.u32 $0xE0, v52  }
0x32: {  	v55 =	vadd.s32 v0, v47;
	[tilespmem:$0x250] =	vst v5;
	v5 =	vadd.s32 v17, v6;
	v6 =	vmul.u32 $0xE0, v54  }
0x33: {  	[tilespmem:$0x260] =	vst v5;
	v5 =	vadd.s32 v49, v7;
	v7 =	vmul.u32 $0xE0, v55  }
0x34: {  	[tilespmem:$0x270] =	vst v5;
	v5 =	vadd.s32 v51, v6  }
0x35: {  	[tilespmem:$0x280] =	vst v5;
	v5 =	vadd.s32 v53, v7  }
0x36: {  	[tilespmem:$0x290] =	vst v5  }
0x37: {  	v5 =	vld [tilespmem:s7+$0x200]  }
0x38: {  	v56 =	vld.msk [tilespmem:$0x1C0], $0xff  }
0x39: {  	v57 =	vld [tilespmem:$0x1B0]  }
0x3a: {  	v7 =	vld [tilespmem:$0x1B0]  }
0x3b: {  	v6 =	vld [tilespmem:$0x1A0]  }
0x3c: {  	v58 =	vld [tilespmem:$0x130];
	v59 =	vshrl.u32 v5, $0x3  }
0x3d: {  	v60 =	vld.msk [tilespmem:$0x140], $0xff;
	v8 =	vadd.s32 v0, v56;
	v11 =	vmul.u32 $0x18, v59  }
0x3e: {  	v61 =	vld [tilespmem:$0x120];
	v8 =	vmul.u32 $0xE0, v8;
	v5 =	vand.u32 $0x7, v5  }
0x3f: {  	v62 =	vld [tilespmem:$0x130];
	v9 =	vadd.s32 v0, v57;
	v7 =	vadd.s32 v0, v7;
	v5 =	vor.u32 v5, v11  }
0x40: {  	v6 =	vadd.s32 v0, v6;
	v7 =	vmul.u32 $0xE0, v7;
	v11 =	vperm.xlane v5, v2  }
0x41: {  	v9 =	vmul.u32 $0xE0, v9;
	v6 =	vmul.u32 $0xE0, v6  }
0x42: {  	v8 =	vadd.s32 v60, v8;
	v7 =	vadd.s32 v58, v7;
	v63 =	vadd.s32 v3, v11  }
0x43: {  	v8 =	vperm.xlane v8, v1;
	v6 =	vadd.s32 v61, v6;
	v7 =	vperm.xlane v7, v1  }
0x44: {  	[tilespmem:$0x2A0] =	vst v6;
	v6 =	vadd.s32 v62, v9;
	v5 =	vperm.xlane v5, v4  }
0x45: {  	[tilespmem:$0x2B0] =	vst v6;
	v6 =	vsel vm0, v7, v8  }
0x46: {  	[tilespmem:$0x2B8] =	vst v6;
	v5 =	vadd.s32 v3, v5  }
0x47: {  	[tilespmem:s15], [sflag:$0x1] =	stream.indirect_vreg.gather [hbm4b:s1+s6], $0x80, v63, vm1, $0xb8;
	[tilespmem:$0x9F00] =	vst v63  }
0x48: {  	s3 =	simm.s32 $0xB00  }
0x49: {  	[tilespmem:s3], [sflag:$0x1] =	stream.indirect_vreg.gather [hbm4b:s11+s6], $0x80, v63, vm0, $0xb8;
	[tilespmem:$0x9F00] =	vst v63  }
0x4a: {  	s3 =	simm.s32 $0xF00  }
0x4b: {  	[tilespmem:s3], [sflag:$0x1] =	stream.indirect_vreg.gather [hbm4b:s1+s6], $0x80, v5, vm1, $0xb8;
	[tilespmem:$0x9F00] =	vst v63  }
0x4c: {  	s3 =	simm.s32 $0x1700  }
0x4d: {  	[tilespmem:s3], [sflag:$0x1] =	stream.indirect_vreg.gather [hbm4b:s11+s6], $0x80, v5, vm0, $0xb8;
	[tilespmem:$0x9F00] =	vst v63  }
0x4e: {  	v5 =	vld [tilespmem:s7+$0x210];
	_ =	sdelay $0x4  }
0x4f: {  	v6 =	vshrl.u32 v5, $0x3  }
0x50: {  	v6 =	vmul.u32 $0x18, v6  }
0x51: {  	v5 =	vand.u32 $0x7, v5  }
0x52: {  	v5 =	vor.u32 v5, v6  }
0x53: {  	v6 =	vperm.xlane v5, v2;
	_ =	sdelay $0x1  }
0x54: {  	v6 =	vadd.s32 v3, v6;
	_ =	sdelay $0x1  }
0x55: {  	v5 =	vperm.xlane v5, v4;
	_ =	sdelay $0x1  }
0x56: {  	s3 =	simm.s32 $0x1B00;
	v5 =	vadd.s32 v3, v5  }
0x57: {  	[tilespmem:s3], [sflag:$0x1] =	stream.indirect_vreg.gather [hbm4b:s1+s6], $0x80, v6, vm1, $0xb8;
	[tilespmem:$0x9F00] =	vst v63  }
0x58: {  	s3 =	simm.s32 $0x2300  }
0x59: {  	[tilespmem:s3], [sflag:$0x1] =	stream.indirect_vreg.gather [hbm4b:s11+s6], $0x80, v6, vm0, $0xb8;
	[tilespmem:$0x9F00] =	vst v63  }
0x5a: {  	s3 =	simm.s32 $0x2700  }
0x5b: {  	[tilespmem:s3], [sflag:$0x1] =	stream.indirect_vreg.gather [hbm4b:s1+s6], $0x80, v5, vm1, $0xb8;
	[tilespmem:$0x9F00] =	vst v63  }
0x5c: {  	s3 =	simm.s32 $0x2F00  }
0x5d: {  	[tilespmem:s3], [sflag:$0x1] =	stream.indirect_vreg.gather [hbm4b:s11+s6], $0x80, v5, vm0, $0xb8;
	[tilespmem:$0x9F00] =	vst v63  }
0x5e: {  	v5 =	vld [tilespmem:s7+$0x220];
	_ =	sdelay $0x4  }
0x5f: {  	v6 =	vshrl.u32 v5, $0x3  }
0x60: {  	v6 =	vmul.u32 $0x18, v6  }
0x61: {  	v5 =	vand.u32 $0x7, v5  }
0x62: {  	v5 =	vor.u32 v5, v6  }
0x63: {  	v6 =	vperm.xlane v5, v2;
	_ =	sdelay $0x1  }
0x64: {  	v6 =	vadd.s32 v3, v6;
	_ =	sdelay $0x1  }
0x65: {  	v5 =	vperm.xlane v5, v4;
	_ =	sdelay $0x1  }
0x66: {  	s3 =	simm.s32 $0x3300;
	v5 =	vadd.s32 v3, v5  }
0x67: {  	[tilespmem:s3], [sflag:$0x1] =	stream.indirect_vreg.gather [hbm4b:s1+s6], $0x80, v6, vm1, $0xb8;
	[tilespmem:$0x9F00] =	vst v63  }
0x68: {  	s3 =	simm.s32 $0x3B00  }
0x69: {  	[tilespmem:s3], [sflag:$0x1] =	stream.indirect_vreg.gather [hbm4b:s11+s6], $0x80, v6, vm0, $0xb8;
	[tilespmem:$0x9F00] =	vst v63  }
0x6a: {  	_ = 	snop  }
0x6b: {  	[tilespmem:s25], [sflag:$0x1] =	stream.indirect_vreg.gather [hbm4b:s1+s6], $0x80, v5, vm1, $0xb8;
	[tilespmem:$0x9F00] =	vst v63  }
0x6c: {  	_ = 	snop  }
0x6d: {  	[tilespmem:s26], [sflag:$0x1] =	stream.indirect_vreg.gather [hbm4b:s11+s6], $0x80, v5, vm0, $0xb8;
	[tilespmem:$0x9F00] =	vst v63  }
0x6e: {  	v5 =	vld.msk [tilespmem:s7+$0x230], $0xff;
	_ =	sdelay $0x4  }
0x6f: {  	v6 =	vshrl.u32 v5, $0x3  }
0x70: {  	v6 =	vmul.u32 $0x18, v6  }
0x71: {  	v5 =	vand.u32 $0x7, v5  }
0x72: {  	v5 =	vor.u32 v5, v6  }
0x73: {  	v5 =	vperm.xlane v5, v2;
	_ =	sdelay $0x1  }
0x74: {  	v5 =	vadd.s32 v3, v5;
	_ =	sdelay $0x4  }
0x75: {  	[tilespmem:s28], [sflag:$0x1] =	stream.indirect_vreg.gather [hbm4b:s1+s6], $0x80, v5, vm1, $0xb8;
	[tilespmem:$0x9F00] =	vst v63  }
0x76: {  	_ = 	snop  }
0x77: {  	[tilespmem:s29], [sflag:$0x1] =	stream.indirect_vreg.gather [hbm4b:s11+s6], $0x80, v5, vm0, $0xb8;
	[tilespmem:$0x9F00] =	vst v63  }
0x78: {  	v5 =	vld [tilespmem:s7+$0x238];
	_ =	sdelay $0x4  }
0x79: {  	v6 =	vshrl.u32 v5, $0x3  }
0x7a: {  	v6 =	vmul.u32 $0x18, v6  }
0x7b: {  	v5 =	vand.u32 $0x7, v5  }
0x7c: {  	v5 =	vor.u32 v5, v6  }
0x7d: {  	v6 =	vperm.xlane v5, v2;
	_ =	sdelay $0x1  }
0x7e: {  	v6 =	vadd.s32 v3, v6;
	_ =	sdelay $0x1  }
0x7f: {  	v5 =	vperm.xlane v5, v4;
	_ =	sdelay $0x1  }
0x80: {  	v5 =	vadd.s32 v3, v5  }
0x81: {  	[tilespmem:s30], [sflag:$0x2] =	stream.indirect_vreg.gather [hbm4b:s1+s6], $0x80, v6, vm1, $0xb8;
	[tilespmem:$0x9F00] =	vst v63  }
0x82: {  	_ = 	snop  }
0x83: {  	[tilespmem:s31], [sflag:$0x2] =	stream.indirect_vreg.gather [hbm4b:s11+s6], $0x80, v6, vm0, $0xb8;
	[tilespmem:$0x9F00] =	vst v63  }
0x84: {  	_ = 	snop  }
0x85: {  	[tilespmem:s2], [sflag:$0x2] =	stream.indirect_vreg.gather [hbm4b:s1+s6], $0x80, v5, vm1, $0xb8;
	[tilespmem:$0x9F00] =	vst v63  }
0x86: {  	_ = 	snop  }
0x87: {  	[tilespmem:s0], [sflag:$0x2] =	stream.indirect_vreg.gather [hbm4b:s11+s6], $0x80, v5, vm0, $0xb8;
	[tilespmem:$0x9F00] =	vst v63  }
0x88: {  	v5 =	vld [tilespmem:s7+$0x248];
	_ =	sdelay $0x4  }
0x89: {  	v6 =	vshrl.u32 v5, $0x3  }
0x8a: {  	v6 =	vmul.u32 $0x18, v6  }
0x8b: {  	v5 =	vand.u32 $0x7, v5  }
0x8c: {  	v5 =	vor.u32 v5, v6  }
0x8d: {  	v6 =	vperm.xlane v5, v2;
	_ =	sdelay $0x1  }
0x8e: {  	v6 =	vadd.s32 v3, v6;
	_ =	sdelay $0x1  }
0x8f: {  	v5 =	vperm.xlane v5, v4;
	_ =	sdelay $0x1  }
0x90: {  	v5 =	vadd.s32 v3, v5  }
0x91: {  	[tilespmem:s4], [sflag:$0x2] =	stream.indirect_vreg.gather [hbm4b:s1+s6], $0x80, v6, vm1, $0xb8;
	[tilespmem:$0x9F00] =	vst v63  }
0x92: {  	_ = 	snop  }
0x93: {  	[tilespmem:s16], [sflag:$0x2] =	stream.indirect_vreg.gather [hbm4b:s11+s6], $0x80, v6, vm0, $0xb8;
	[tilespmem:$0x9F00] =	vst v63  }
0x94: {  	_ = 	snop  }
0x95: {  	[tilespmem:s17], [sflag:$0x2] =	stream.indirect_vreg.gather [hbm4b:s1+s6], $0x80, v5, vm1, $0xb8;
	[tilespmem:$0x9F00] =	vst v63  }
0x96: {  	_ = 	snop  }
0x97: {  	[tilespmem:s18], [sflag:$0x2] =	stream.indirect_vreg.gather [hbm4b:s11+s6], $0x80, v5, vm0, $0xb8;
	[tilespmem:$0x9F00] =	vst v63  }
0x98: {  	v5 =	vld [tilespmem:s7+$0x258];
	_ =	sdelay $0x4  }
0x99: {  	v6 =	vshrl.u32 v5, $0x3  }
0x9a: {  	v6 =	vmul.u32 $0x18, v6  }
0x9b: {  	v5 =	vand.u32 $0x7, v5  }
0x9c: {  	v5 =	vor.u32 v5, v6  }
0x9d: {  	v6 =	vperm.xlane v5, v2;
	_ =	sdelay $0x1  }
0x9e: {  	v6 =	vadd.s32 v3, v6;
	_ =	sdelay $0x1  }
0x9f: {  	v5 =	vperm.xlane v5, v4;
	_ =	sdelay $0x1  }
0xa0: {  	v5 =	vadd.s32 v3, v5  }
0xa1: {  	[tilespmem:s19], [sflag:$0x2] =	stream.indirect_vreg.gather [hbm4b:s1+s6], $0x80, v6, vm1, $0xb8;
	[tilespmem:$0x9F00] =	vst v63  }
0xa2: {  	_ = 	snop  }
0xa3: {  	[tilespmem:s20], [sflag:$0x2] =	stream.indirect_vreg.gather [hbm4b:s11+s6], $0x80, v6, vm0, $0xb8;
	[tilespmem:$0x9F00] =	vst v63  }
0xa4: {  	_ = 	snop  }
0xa5: {  	[tilespmem:s21], [sflag:$0x2] =	stream.indirect_vreg.gather [hbm4b:s1+s6], $0x80, v5, vm1, $0xb8;
	[tilespmem:$0x9F00] =	vst v63  }
0xa6: {  	s3 =	sshrl.u32 s10, $0x3  }
0xa7: {  	[tilespmem:s22], [sflag:$0x2] =	stream.indirect_vreg.gather [hbm4b:s11+s6], $0x80, v5, vm0, $0xb8;
	[tilespmem:$0x9F00] =	vst v63  }
0xa8: {  	s3 =	smul.u32 $0x180, s3;
	_ =	swait.ge [sflag:s8], $0x5400  }
0xa9: {  	[sflag:s8] =	ssyncset.done $0x0  }
0xaa: {  	s3 =	sadd.s32 s5, s3;
	[sflag:s8] =	ssyncadd.s32 $0xFFFFAC00  }
0xab: {  	[hbm4b:s3+s6] =	stream.linear.scatter [tilespmem:s15], [sflag:$0x3], $0x5400, $0x38;
	[tilespmem:$0x9F00] =	vst v63  }
0xac: {  	_ =	swait.ge [sflag:s14], $0x5400  }
0xad: {  	s10 =	sadd.s32 $0x38, s10;
	[sflag:s14] =	ssyncset.done $0x0  }
0xae: {  	s3 =	sshrl.u32 s10, $0x3;
	[sflag:s14] =	ssyncadd.s32 $0xFFFFAC00  }
0xaf: {  	s3 =	smul.u32 $0x180, s3;
	_ =	swait.ge [sflag:s23], $0x4800  }
0xb0: {  	[sflag:s23] =	ssyncset.done $0x0  }
0xb1: {  	s3 =	sadd.s32 s5, s3;
	[sflag:s23] =	ssyncadd.s32 $0xFFFFB800  }
0xb2: {  	[hbm4b:s3+s6] =	stream.linear.scatter [tilespmem:s30], [sflag:$0x3], $0x4800, $0x38;
	[tilespmem:$0x9F00] =	vst v63  }
0xb3: {  	_ =	swait.ge [sflag:s14], $0x4800  }
0xb4: {  	[sflag:s14] =	ssyncset.done $0x0  }
0xb5: {  	[sflag:s14] =	ssyncadd.s32 $0xFFFFB800  }
.LBB2_5:
0xb6: {  	s13 =	sadd.s32 $0xFFFFFFFF, s13  }
0xb7: {  	p2 =	sne.s32 s13, $0x0  }
.Ltmp1:
0xb8: {  	_ = 	snop;
	(pc) =	sbr.rel @!p2 .LBB2_6-.Ltmp1, $1  }
0xb9: {  	_ =	sdelay $0x3  }
.LBB2_1:
.Ltmp2:
0xba: {  	(pc) =	sbr.rel @p0 .LBB2_4-.Ltmp2, $2  }
0xbb: {  	_ =	sdelay $0x2  }
0xbc: {  	s3 =	smov.u32 s24;
	s10 =	smov.u32 s12  }
.Ltmp3:
0xbd: {  	(pc) =	sbr.rel @p1 .LBB2_5-.Ltmp3, $1  }
0xbe: {  	_ =	sdelay $0x3  }
.Ltmp4:
0xbf: {  	(pc) =	sbr.rel .LBB2_4-.Ltmp4, $3  }
0xc0: {  	_ =	sdelay $0x1  }
0xc1: {  	s3 =	rddreg [dreg:$0x2]  }
0xc2: {  	s10 =	rddreg [dreg:$0x5]  }
.LBB2_6:
0xc3: {  	_ =	sfence.sel $0x180000  }
0xc4: {  	[bflag:$0x0] =	sbarrier.arrive $0xFFFF  }
0xc5: {  	_ =	strace $0x90000047  }
0xc6: {  	s0 =	stileid.u32;
	[bflag:$0x2] =	sbarrier.arrive $0xFFFF  }
0xc7: {  	p0 =	sne.s32 s0, $0x0;
	s0 =	rddreg [dreg:$0x4]  }
0xc8: {  	s0 =	sadd.s32 @!p0 $0x100000, s0  }
0xc9: {  	[sflag:s0] =	ssyncadd.tile.s32 @!p0 $0x1;
	_ =	shalt  }
.Lfunc_end2:
_tile_overlayer_lowered:
.L_overlay_start_2:
0xca: {  	(tag) =	ssettag $0x2  }
0xcb: {  	s0 =	rddreg [dreg:$0x0];
	s2 =	stileid.u32  }
0xcc: {  	s1 =	rddreg [dreg:$0x1];
	p0 =	sne.s32 s2, $0x0  }
0xcd: {  	s3 =	rddreg [dreg:$0x2];
	[bflag:$0x3] =	sbarrier.arrive $0xFFFF;
	s2 =	simm.s32 @!p0 $0x1C03  }
0xce: {  	[timem:s3], [sflag:s2] =	dma.local @!p0 [hbm:s0], s1  }
0xcf: {  	s0 =	simm.s32 @!p0 $0x3  }
0xd0: {  	_ =	swait.ge @!p0 [sflag:s0], s1  }
0xd1: {  	s1 =	ssub.s32 @!p0 $0x0, s1;
	[sflag:s0] =	ssyncset.done @!p0 $0x0  }
0xd2: {  	[sflag:s0] =	ssyncadd.s32 @!p0 s1  }
0xd3: {  	[bflag:$0x3] =	sbarrier.arrive $0xFFFF  }
0xd4: {  	_ =	shalt  }

</sc_bundles>
